<compile_context>
chip_gen: v7x
topology: tpu7x:2x2x1
jax: 0.10.2.dev20260603
libtpu: 0.0.44.dev20260713+nightly
codegen_flags: <defaults>
</compile_context>

<pallas_src>
import functools

import jax
import jax.numpy as jnp
from jax import lax
from jax.experimental import pallas as pl
from jax.experimental.pallas import tpu as pltpu
from jax.experimental.pallas import tpu_sc as plsc

N = 10000
E = 320000
NSC = 2
NTEC = 16
NW = NSC * NTEC
EPW = E // NW
C = 80
CPT = EPW // C
NBUF = 4
EB = 2 * NBUF
CD = 2000
RPT = 640
PAD_N = NTEC * RPT
LASTR = N - (NTEC - 1) * RPT
ZR = C
RBLK = 1000

_mesh = functools.partial(
    plsc.VectorSubcoreMesh,
    core_axis_name="c", subcore_axis_name="s",
    num_cores=NSC, num_subcores=NTEC,
)


NPT = PAD_N // NTEC


CDC = CD // C


def _deg_body(src_hbm, dst_hbm, deg_hbm, eidx_hbm, hs, hd, sidx, didx,
              shist, tbuf, res, sem):
    cid = lax.axis_index("c")
    sid = lax.axis_index("s")
    wid = cid * NTEC + sid
    zeros16 = jnp.zeros((16,), jnp.float32)
    ones16 = jnp.ones((16,), jnp.float32)

    def zero_body(r, carry):
        hs[pl.ds(r * 16, 16)] = zeros16
        hd[pl.ds(r * 16, 16)] = zeros16
        return carry

    lax.fori_loop(0, PAD_N // 16, zero_body, 0)

    def chunk_body(i, carry):
        base = wid * CPT + i * CDC
        pltpu.sync_copy(src_hbm.at[pl.ds(base, CDC)], sidx)
        pltpu.sync_copy(dst_hbm.at[pl.ds(base, CDC)], didx)
        pltpu.async_copy(sidx, eidx_hbm.at[pl.ds(base, CDC), 0], sem)
        pltpu.async_copy(didx, eidx_hbm.at[pl.ds(base, CDC), 1], sem)

        def row_body(r, c2):
            for k in range(C // 16):
                s = sidx[r, pl.ds(k * 16, 16)]
                plsc.addupdate_scatter(hs, [s], ones16)
                d = didx[r, pl.ds(k * 16, 16)]
                plsc.addupdate_scatter(hd, [d], ones16)
            return c2

        lax.fori_loop(0, CDC, row_body, carry)
        pltpu.make_async_copy(sidx, eidx_hbm.at[pl.ds(base, CDC), 0],
                              sem).wait()
        pltpu.make_async_copy(didx, eidx_hbm.at[pl.ds(base, CDC), 1],
                              sem).wait()
        return carry

    lax.fori_loop(0, EPW // CD, chunk_body, 0)
    pltpu.sync_copy(hs, shist.at[sid, 0])
    pltpu.sync_copy(hd, shist.at[sid, 1])
    plsc.subcore_barrier()
    rbase = pl.multiple_of(sid * NPT, 8)
    pltpu.sync_copy(shist.at[:, :, pl.ds(rbase, NPT)], tbuf)

    def red_body(v, carry):
        for c in range(2):
            a = tbuf[0, c, pl.ds(v * 16, 16)]
            for t in range(1, NTEC):
                a = a + tbuf[t, c, pl.ds(v * 16, 16)]
            res[c, pl.ds(v * 16, 16)] = a
        return carry

    lax.fori_loop(0, NPT // 16, red_body, 0)
    pltpu.sync_copy(res, deg_hbm.at[pl.ds(4 * cid, 2), pl.ds(rbase, NPT)])

    def zres_body(v, carry):
        for c in range(2):
            res[c, pl.ds(v * 16, 16)] = zeros16
        return carry

    lax.fori_loop(0, NPT // 16, zres_body, 0)
    pltpu.sync_copy(res, deg_hbm.at[pl.ds(4 * cid + 2, 2), pl.ds(rbase, NPT)])


@jax.jit
def _degree_hist(src2d, dst2d):
    k = pl.kernel(
        _deg_body,
        out_type=(
            jax.ShapeDtypeStruct((8, PAD_N), jnp.float32),
            jax.ShapeDtypeStruct((E // C, 2, C), jnp.int32),
        ),
        mesh=_mesh(),
        scratch_types=[
            pltpu.VMEM((PAD_N,), jnp.float32),
            pltpu.VMEM((PAD_N,), jnp.float32),
            pltpu.VMEM((CDC, C), jnp.int32),
            pltpu.VMEM((CDC, C), jnp.int32),
            pltpu.VMEM_SHARED((NTEC, 2, PAD_N), jnp.float32),
            pltpu.VMEM((NTEC, 2, NPT), jnp.float32),
            pltpu.VMEM((2, NPT), jnp.float32),
            pltpu.SemaphoreType.DMA,
        ],
        compiler_params=pltpu.CompilerParams(
            needs_layout_passes=False,
            use_tc_tiling_on_sc=False,
        ),
    )
    return k(src2d, dst2d)


def _spmm_body(h_hbm, eidx_hbm, out_hbm, *refs):
    ebufs = refs[0:EB]
    rows = refs[EB:EB + NBUF]
    acc = refs[EB + NBUF]
    sems = refs[EB + NBUF + 1:]
    semE = sems[0:EB]
    semG = sems[EB:EB + NBUF]
    semS = sems[EB + NBUF:EB + 2 * NBUF]
    F = rows[0].shape[1]
    cid = lax.axis_index("c")
    sid = lax.axis_index("s")
    wid = cid * NTEC + sid
    zeros16f = jnp.zeros((16,), jnp.float32)

    def zfill(r, carry):
        for k in range(F // 16):
            rows[0][r, pl.ds(k * 16, 16)] = zeros16f
        return carry

    lax.fori_loop(0, ZR, zfill, 0)

    row0 = pl.multiple_of(sid * RPT, 8)
    zdescs = [pltpu.async_copy(rows[0], acc.at[pl.ds(row0 + j * ZR, ZR)],
                               semS[0])
              for j in range(RPT // ZR)]
    for d in zdescs:
        d.wait()
    plsc.subcore_barrier()

    cbase = wid * CPT
    edescs = [pltpu.async_copy(eidx_hbm.at[cbase + b], ebufs[b], semE[b])
              for b in range(NBUF)]
    for b in range(NBUF - 1):
        edescs[b].wait()
        pltpu.async_copy(h_hbm.at[ebufs[b].at[0]], rows[b], semG[b])

    def group_body(g, carry):
        for u in range(EB):
            j = g * EB + u
            b = u % NBUF
            e = u % EB

            @pl.when(j < CPT)
            def _():
                pltpu.make_async_copy(h_hbm.at[ebufs[e].at[0]], rows[b],
                                      semG[b]).wait()
                pltpu.async_copy(rows[b], acc.at[ebufs[e].at[1]], semS[b],
                                 add=True)

            @pl.when(j + NBUF < CPT)
            def _():
                e2 = (u + NBUF) % EB
                pltpu.async_copy(eidx_hbm.at[cbase + j + NBUF],
                                 ebufs[e2], semE[e2])

            k = j + NBUF - 1
            bk = (u + NBUF - 1) % NBUF
            ek = (u + NBUF - 1) % EB

            @pl.when((k < CPT) & (j >= 1))
            def _():
                pltpu.make_async_copy(rows[bk], acc.at[ebufs[ek].at[1]],
                                      semS[bk]).wait()

            @pl.when(k < CPT)
            def _():
                pltpu.make_async_copy(eidx_hbm.at[0], ebufs[ek],
                                      semE[ek]).wait()
                pltpu.async_copy(h_hbm.at[ebufs[ek].at[0]], rows[bk],
                                 semG[bk])

        return carry

    lax.fori_loop(0, (CPT + EB - 1) // EB, group_body, 0)
    for r in range(NBUF):
        j = CPT - NBUF + r
        b = j % NBUF
        e = j % EB
        pltpu.make_async_copy(rows[b], acc.at[ebufs[e].at[1]],
                              semS[b]).wait()
    plsc.subcore_barrier()

    @pl.when(sid < NTEC - 1)
    def _():
        pltpu.sync_copy(acc.at[pl.ds(row0, RPT)],
                        out_hbm.at[cid, pl.ds(row0, RPT)])

    @pl.when(sid == NTEC - 1)
    def _():
        pltpu.sync_copy(acc.at[pl.ds(row0, LASTR)],
                        out_hbm.at[cid, pl.ds(row0, LASTR)])


@functools.partial(jax.jit, static_argnames=("F",))
def _spmm(h, eidx, F):
    k = pl.kernel(
        _spmm_body,
        out_type=jax.ShapeDtypeStruct((NSC, N, F), jnp.float32),
        mesh=_mesh(),
        scratch_types=(
            [pltpu.VMEM((2, C), jnp.int32) for _ in range(EB)]
            + [pltpu.VMEM((C, F), jnp.float32) for _ in range(NBUF)]
            + [pltpu.VMEM_SHARED((PAD_N, F), jnp.float32)]
            + [pltpu.SemaphoreType.DMA for _ in range(EB + 2 * NBUF)]
        ),
        compiler_params=pltpu.CompilerParams(
            needs_layout_passes=False,
            use_tc_tiling_on_sc=False,
        ),
    )
    return k(h, eidx)


_DOT = dict(preferred_element_type=jnp.float32)


def _prep_body(deg_ref, x_ref, xs_ref, rsq_ref):
    ri = lax.broadcasted_iota(jnp.int32, (8, 2), 0)
    ci = lax.broadcasted_iota(jnp.int32, (8, 2), 1)
    sel = ((ri % 4) == ci).astype(jnp.float32)
    dims = (((0,), (0,)), ((), ()))
    s = lax.dot_general(deg_ref[...], sel, dims, **_DOT)
    r = lax.rsqrt(jnp.maximum(s, 1.0))[0:N, :]
    rsq_ref[...] = r
    xs_ref[...] = x_ref[...] * r[:, 0:1]


@jax.jit
def _prep(deg, x):
    return pl.pallas_call(
        _prep_body,
        out_shape=[
            jax.ShapeDtypeStruct((N, 128), jnp.float32),
            jax.ShapeDtypeStruct((N, 2), jnp.float32),
        ],
    )(deg, x)


def _fuse1_body(pa_ref, pb_ref, rsq_ref, w1_ref, b1_ref, w2_ref, o_ref):
    p = pa_ref[...] + pb_ref[...]
    agg = p * rsq_ref[:, 1:2]
    h = jax.nn.relu(jnp.dot(agg, w1_ref[...], **_DOT) + b1_ref[...])
    o_ref[...] = jnp.dot(h * rsq_ref[:, 0:1], w2_ref[...], **_DOT)


@jax.jit
def _fuse1(pa, pb, rsq, W1, b1, W2):
    return pl.pallas_call(
        _fuse1_body,
        grid=(N // RBLK,),
        in_specs=[
            pl.BlockSpec((RBLK, 128), lambda i: (i, 0)),
            pl.BlockSpec((RBLK, 128), lambda i: (i, 0)),
            pl.BlockSpec((RBLK, 2), lambda i: (i, 0)),
            pl.BlockSpec((128, 256), lambda i: (0, 0)),
            pl.BlockSpec((1, 256), lambda i: (0, 0)),
            pl.BlockSpec((256, 128), lambda i: (0, 0)),
        ],
        out_specs=pl.BlockSpec((RBLK, 128), lambda i: (i, 0)),
        out_shape=jax.ShapeDtypeStruct((N, 128), jnp.float32),
    )(pa, pb, rsq, W1, b1, W2)


def _fuse2_body(pa_ref, pb_ref, rsq_ref, b2_ref, w3_ref, o_ref):
    p = pa_ref[...] + pb_ref[...]
    h = jax.nn.relu(p * rsq_ref[:, 1:2] + b2_ref[...])
    o_ref[...] = jnp.dot(h * rsq_ref[:, 0:1], w3_ref[...], **_DOT)


@jax.jit
def _fuse2(pa, pb, rsq, b2, W3):
    return pl.pallas_call(
        _fuse2_body,
        grid=(N // RBLK,),
        in_specs=[
            pl.BlockSpec((RBLK, 128), lambda i: (i, 0)),
            pl.BlockSpec((RBLK, 128), lambda i: (i, 0)),
            pl.BlockSpec((RBLK, 2), lambda i: (i, 0)),
            pl.BlockSpec((1, 128), lambda i: (0, 0)),
            pl.BlockSpec((128, 64), lambda i: (0, 0)),
        ],
        out_specs=pl.BlockSpec((RBLK, 64), lambda i: (i, 0)),
        out_shape=jax.ShapeDtypeStruct((N, 64), jnp.float32),
    )(pa, pb, rsq, b2, W3)


def _final_body(pa_ref, pb_ref, rsq_ref, b3_ref, wfc_ref, bfc_ref, o_ref,
                acc_ref):
    i = pl.program_id(0)
    p = pa_ref[...] + pb_ref[...]
    h = jax.nn.relu(p * rsq_ref[:, 1:2] + b3_ref[...])
    ps = jnp.sum(h, axis=0, keepdims=True)

    @pl.when(i == 0)
    def _():
        acc_ref[...] = jnp.zeros_like(acc_ref)

    acc_ref[...] += ps

    @pl.when(i == pl.num_programs(0) - 1)
    def _():
        hg = acc_ref[...] * (1.0 / N)
        o_ref[...] = jnp.dot(hg, wfc_ref[...], **_DOT) + bfc_ref[...]


@jax.jit
def _final(pa, pb, rsq, b3, Wfc, bfc):
    return pl.pallas_call(
        _final_body,
        grid=(N // RBLK,),
        in_specs=[
            pl.BlockSpec((RBLK, 64), lambda i: (i, 0)),
            pl.BlockSpec((RBLK, 64), lambda i: (i, 0)),
            pl.BlockSpec((RBLK, 2), lambda i: (i, 0)),
            pl.BlockSpec((1, 64), lambda i: (0, 0)),
            pl.BlockSpec((64, 2), lambda i: (0, 0)),
            pl.BlockSpec((1, 2), lambda i: (0, 0)),
        ],
        out_specs=pl.BlockSpec((1, 2), lambda i: (0, 0)),
        out_shape=jax.ShapeDtypeStruct((1, 2), jnp.float32),
        scratch_shapes=[pltpu.VMEM((1, 64), jnp.float32)],
    )(pa, pb, rsq, b3, Wfc, bfc)


def kernel(x, edge_index, W1, b1, W2, b2, W3, b3, Wfc, bfc):
    src2d = edge_index[0].reshape(E // C, C)
    dst2d = edge_index[1].reshape(E // C, C)
    deg, eidx = _degree_hist(src2d, dst2d)
    xs, rsq = _prep(deg, x)
    p1 = _spmm(xs, eidx, 128)
    z2 = _fuse1(p1[0], p1[1], rsq, W1, b1.reshape(1, -1), W2)
    p2 = _spmm(z2, eidx, 128)
    z3 = _fuse2(p2[0], p2[1], rsq, b2.reshape(1, -1), W3)
    p3 = _spmm(z3, eidx, 64)
    return _final(p3[0], p3[1], rsq, b3.reshape(1, -1), Wfc,
                  bfc.reshape(1, -1))

# --- scband reference (transcript-rebuilt; emitter-appended) ---
"""Pipeline reference for scband-gcn-13082470384334 (READ-ONLY COPY).

The authoritative reference and input builder live on the scoring server;
editing this copy changes nothing except your own understanding.
"""

import jax, jax.numpy as jnp
import numpy as np

N = 10000
E = 320000
DIN = 128
HID = [256, 128, 64]
NC = 2


def setup_inputs(seed: int = 0) -> dict:
    key = jax.random.key(seed)
    ks = jax.random.split(key, 12)
    x = jax.random.normal(ks[0], (N, DIN), dtype=jnp.float32)
    edge_index = jax.random.randint(ks[1], (2, E), 0, N, dtype=jnp.int32)
    W1 = jax.random.normal(ks[2], (DIN, HID[0]), dtype=jnp.float32) * 0.05
    b1 = jnp.zeros((HID[0],), dtype=jnp.float32)
    W2 = jax.random.normal(ks[3], (HID[0], HID[1]), dtype=jnp.float32) * 0.05
    b2 = jnp.zeros((HID[1],), dtype=jnp.float32)
    W3 = jax.random.normal(ks[4], (HID[1], HID[2]), dtype=jnp.float32) * 0.05
    b3 = jnp.zeros((HID[2],), dtype=jnp.float32)
    Wfc = jax.random.normal(ks[5], (HID[2], NC), dtype=jnp.float32) * 0.05
    bfc = jnp.zeros((NC,), dtype=jnp.float32)
    return {"x": x, "edge_index": edge_index, "W1": W1, "b1": b1,
            "W2": W2, "b2": b2, "W3": W3, "b3": b3, "Wfc": Wfc, "bfc": bfc}


def _graph_conv(h, src, dst, W, b):
    # DGL GraphConv with norm='both': D_out^{-1/2} A D_in^{-1/2} normalization
    out_deg = jnp.maximum(jnp.zeros((N,), dtype=jnp.float32).at[src].add(1.0), 1.0)
    in_deg = jnp.maximum(jnp.zeros((N,), dtype=jnp.float32).at[dst].add(1.0), 1.0)
    h = h * jax.lax.rsqrt(out_deg)[:, None]
    h = h @ W  # apply weight before aggregation (math-equivalent to DGL ordering)
    msg = jnp.take(h, src, axis=0)              # gather over edges
    agg = jnp.zeros((N, W.shape[1]), dtype=jnp.float32).at[dst].add(msg)  # scatter-add
    agg = agg * jax.lax.rsqrt(in_deg)[:, None] + b
    return agg


def reference(x, edge_index, W1, b1, W2, b2, W3, b3, Wfc, bfc):
    src = edge_index[0]
    dst = edge_index[1]
    h = x
    for W, b in ((W1, b1), (W2, b2), (W3, b3)):
        h = jax.nn.relu(_graph_conv(h, src, dst, W, b))
    hg = jnp.mean(h, axis=0, keepdims=True)  # dgl.mean_nodes over single graph -> [1, 64]
    out = hg @ Wfc + bfc                      # [1, num_classes]
    return out

if __name__ == "__main__":
    import jax
    _d = setup_inputs()
    print(jax.jit(kernel)(*tuple(_d.values())))

</pallas_src>

<mosaic_0001>
#map = affine_map<(d0, d1) -> (0, 0)>
#map1 = affine_map<(d0, d1) -> (0, 0, 0)>
module attributes {stable_mosaic.version = 14 : i64} {
  func.func @_deg_body(%arg0: i32, %arg1: i32, %arg2: memref<4000x80xi32, #tpu.memory_space<hbm>>, %arg3: memref<4000x80xi32, #tpu.memory_space<hbm>>, %arg4: memref<8x10240xf32, #tpu.memory_space<hbm>>, %arg5: memref<4000x2x80xi32, #tpu.memory_space<hbm>>, %arg6: memref<10240xf32, #tpu.memory_space<vmem>>, %arg7: memref<10240xf32, #tpu.memory_space<vmem>>, %arg8: memref<25x80xi32, #tpu.memory_space<vmem>>, %arg9: memref<25x80xi32, #tpu.memory_space<vmem>>, %arg10: memref<16x2x10240xf32, #tpu.memory_space<vmem_shared>>, %arg11: memref<16x2x640xf32, #tpu.memory_space<vmem>>, %arg12: memref<2x640xf32, #tpu.memory_space<vmem>>, %arg13: memref<!tpu.dma_semaphore, #tpu.memory_space<semaphore_mem>>) attributes {dimension_semantics = [#tpu.dimension_semantics<core_parallel>, #tpu.dimension_semantics<subcore_parallel>], iteration_bounds = array<i64: 2, 16>, scalar_prefetch = 0 : i64, scratch_operands = 8 : i64, tpu.core_type = #tpu.core_type<sc_vector_subcore>, window_params = [{transform_indices = #map}, {transform_indices = #map}, {transform_indices = #map}, {transform_indices = #map1}]} {
    %mul3A = arith.constant 16 : i32
    %mul3A_0 = arith.muli %arg0, %mul3A : i32
    %add3A = arith.addi %mul3A_0, %arg1 : i32
    %broadcast_in_dim3A = arith.constant 0.000000e+00 : f32
    %broadcast_in_dim3A_1 = vector.broadcast %broadcast_in_dim3A : f32 to vector<16xf32>
    %broadcast_in_dim3A_2 = arith.constant 1.000000e+00 : f32
    %broadcast_in_dim3A_3 = vector.broadcast %broadcast_in_dim3A_2 : f32 to vector<16xf32>
    %scan3A = arith.constant 0 : i32
    %scan3A_4 = arith.constant 0 : i32
    %scan3A_5 = arith.constant 640 : i32
    %scan3A_6 = arith.addi %scan3A_4, %scan3A_5 : i32
    %scan3A_7 = arith.constant 1 : i32
    scf.for %scan3A_36 = %scan3A_4 to %scan3A_6 step %scan3A_7  : i32 {
      %mul3A_37 = arith.constant 16 : i32
      %mul3A_38 = arith.muli %scan3A_36, %mul3A_37 : i32
      %swap3A = arith.index_cast %mul3A_38 : i32 to index
      %swap3A_39 = tpu.vector_load %arg6[%swap3A] {strides = array<i32>} : memref<10240xf32, #tpu.memory_space<vmem>>, vector<16xf32>,
      tpu.vector_store %arg6[%swap3A], %broadcast_in_dim3A_1 {strides = array<i32>} : memref<10240xf32, #tpu.memory_space<vmem>>, vector<16xf32>,
      %mul3A_40 = arith.constant 16 : i32
      %mul3A_41 = arith.muli %scan3A_36, %mul3A_40 : i32
      %swap3A_42 = arith.index_cast %mul3A_41 : i32 to index
      %swap3A_43 = tpu.vector_load %arg7[%swap3A_42] {strides = array<i32>} : memref<10240xf32, #tpu.memory_space<vmem>>, vector<16xf32>,
      tpu.vector_store %arg7[%swap3A_42], %broadcast_in_dim3A_1 {strides = array<i32>} : memref<10240xf32, #tpu.memory_space<vmem>>, vector<16xf32>,
    }
    %scan3A_8 = arith.constant 640 : i32
    %scan3A_9 = arith.constant 0 : i32
    %scan3A_10 = arith.constant 0 : i32
    %scan3A_11 = arith.constant 5 : i32
    %scan3A_12 = arith.addi %scan3A_10, %scan3A_11 : i32
    %scan3A_13 = arith.constant 1 : i32
    scf.for %scan3A_36 = %scan3A_10 to %scan3A_12 step %scan3A_13  : i32 {
      %mul3A_37 = arith.constant 125 : i32
      %mul3A_38 = arith.muli %add3A, %mul3A_37 : i32
      %mul3A_39 = arith.constant 25 : i32
      %mul3A_40 = arith.muli %scan3A_36, %mul3A_39 : i32
      %add3A_41 = arith.addi %mul3A_38, %mul3A_40 : i32
      "tpu.region"() ({
        %run_scoped3A_73 = tpu.sem_alloc : memref<!tpu.dma_semaphore, #tpu.memory_space<semaphore_mem>>
        %dma_start3A_74 = arith.constant 0 : i32
        %dma_start3A_75 = tpu.memref_slice %arg2[%add3A_41, %dma_start3A_74] : memref<4000x80xi32, #tpu.memory_space<hbm>> -> memref<25x80xi32, #tpu.memory_space<hbm>>
        %dma_start3A_76 = arith.constant 0 : i32
        %dma_start3A_77 = tpu.memref_slice %arg2[%add3A_41, %dma_start3A_76] : memref<4000x80xi32, #tpu.memory_space<hbm>> -> memref<25x80xi32, #tpu.memory_space<hbm>>
        tpu.enqueue_dma source(%dma_start3A_77 : memref<25x80xi32, #tpu.memory_space<hbm>>) target(%arg8 : memref<25x80xi32, #tpu.memory_space<vmem>>) target_semaphore(%run_scoped3A_73 : memref<!tpu.dma_semaphore, #tpu.memory_space<semaphore_mem>>)
        %dma_wait3A_78 = arith.constant 0 : i32
        %dma_wait3A_79 = tpu.memref_slice %arg2[%add3A_41, %dma_wait3A_78] : memref<4000x80xi32, #tpu.memory_space<hbm>> -> memref<25x80xi32, #tpu.memory_space<hbm>>
        %dma_wait3A_80 = arith.constant 0 : i32
        %dma_wait3A_81 = tpu.memref_slice %arg2[%add3A_41, %dma_wait3A_80] : memref<4000x80xi32, #tpu.memory_space<hbm>> -> memref<25x80xi32, #tpu.memory_space<hbm>>
        tpu.wait_dma2 semaphore(%run_scoped3A_73 : memref<!tpu.dma_semaphore, #tpu.memory_space<semaphore_mem>>) src(%dma_wait3A_81 : memref<25x80xi32, #tpu.memory_space<hbm>>) dst(%arg8 : memref<25x80xi32, #tpu.memory_space<vmem>>)
        tpu.yield
      }) : () -> ()
      "tpu.region"() ({
        %run_scoped3A_73 = tpu.sem_alloc : memref<!tpu.dma_semaphore, #tpu.memory_space<semaphore_mem>>
        %dma_start3A_74 = arith.constant 0 : i32
        %dma_start3A_75 = tpu.memref_slice %arg3[%add3A_41, %dma_start3A_74] : memref<4000x80xi32, #tpu.memory_space<hbm>> -> memref<25x80xi32, #tpu.memory_space<hbm>>
        %dma_start3A_76 = arith.constant 0 : i32
        %dma_start3A_77 = tpu.memref_slice %arg3[%add3A_41, %dma_start3A_76] : memref<4000x80xi32, #tpu.memory_space<hbm>> -> memref<25x80xi32, #tpu.memory_space<hbm>>
        tpu.enqueue_dma source(%dma_start3A_77 : memref<25x80xi32, #tpu.memory_space<hbm>>) target(%arg9 : memref<25x80xi32, #tpu.memory_space<vmem>>) target_semaphore(%run_scoped3A_73 : memref<!tpu.dma_semaphore, #tpu.memory_space<semaphore_mem>>)
        %dma_wait3A_78 = arith.constant 0 : i32
        %dma_wait3A_79 = tpu.memref_slice %arg3[%add3A_41, %dma_wait3A_78] : memref<4000x80xi32, #tpu.memory_space<hbm>> -> memref<25x80xi32, #tpu.memory_space<hbm>>
        %dma_wait3A_80 = arith.constant 0 : i32
        %dma_wait3A_81 = tpu.memref_slice %arg3[%add3A_41, %dma_wait3A_80] : memref<4000x80xi32, #tpu.memory_space<hbm>> -> memref<25x80xi32, #tpu.memory_space<hbm>>
        tpu.wait_dma2 semaphore(%run_scoped3A_73 : memref<!tpu.dma_semaphore, #tpu.memory_space<semaphore_mem>>) src(%dma_wait3A_81 : memref<25x80xi32, #tpu.memory_space<hbm>>) dst(%arg9 : memref<25x80xi32, #tpu.memory_space<vmem>>)
        tpu.yield
      }) : () -> ()
      %dma_start3A = arith.constant 0 : i32
      %dma_start3A_42 = arith.constant 0 : i32
      %dma_start3A_43 = tpu.memref_slice %arg5[%add3A_41, %dma_start3A, %dma_start3A_42] : memref<4000x2x80xi32, #tpu.memory_space<hbm>> -> memref<25x1x80xi32, #tpu.memory_space<hbm>>
      %dma_start3A_44 = tpu.memref_squeeze %dma_start3A_43 : memref<25x1x80xi32, #tpu.memory_space<hbm>> -> memref<25x80xi32, #tpu.memory_space<hbm>>
      %dma_start3A_45 = arith.constant 0 : i32
      %dma_start3A_46 = tpu.memref_slice %arg5[%add3A_41, %dma_start3A, %dma_start3A_45] : memref<4000x2x80xi32, #tpu.memory_space<hbm>> -> memref<25x1x80xi32, #tpu.memory_space<hbm>>
      %dma_start3A_47 = tpu.memref_squeeze %dma_start3A_46 : memref<25x1x80xi32, #tpu.memory_space<hbm>> -> memref<25x80xi32, #tpu.memory_space<hbm>>
      tpu.enqueue_dma source(%arg8 : memref<25x80xi32, #tpu.memory_space<vmem>>) target(%dma_start3A_47 : memref<25x80xi32, #tpu.memory_space<hbm>>) target_semaphore(%arg13 : memref<!tpu.dma_semaphore, #tpu.memory_space<semaphore_mem>>)
      %dma_start3A_48 = arith.constant 1 : i32
      %dma_start3A_49 = arith.constant 0 : i32
      %dma_start3A_50 = tpu.memref_slice %arg5[%add3A_41, %dma_start3A_48, %dma_start3A_49] : memref<4000x2x80xi32, #tpu.memory_space<hbm>> -> memref<25x1x80xi32, #tpu.memory_space<hbm>>
      %dma_start3A_51 = tpu.memref_squeeze %dma_start3A_50 : memref<25x1x80xi32, #tpu.memory_space<hbm>> -> memref<25x80xi32, #tpu.memory_space<hbm>>
      %dma_start3A_52 = arith.constant 0 : i32
      %dma_start3A_53 = tpu.memref_slice %arg5[%add3A_41, %dma_start3A_48, %dma_start3A_52] : memref<4000x2x80xi32, #tpu.memory_space<hbm>> -> memref<25x1x80xi32, #tpu.memory_space<hbm>>
      %dma_start3A_54 = tpu.memref_squeeze %dma_start3A_53 : memref<25x1x80xi32, #tpu.memory_space<hbm>> -> memref<25x80xi32, #tpu.memory_space<hbm>>
      tpu.enqueue_dma source(%arg9 : memref<25x80xi32, #tpu.memory_space<vmem>>) target(%dma_start3A_54 : memref<25x80xi32, #tpu.memory_space<hbm>>) target_semaphore(%arg13 : memref<!tpu.dma_semaphore, #tpu.memory_space<semaphore_mem>>)
      %scan3A_55 = arith.constant 0 : i32
      %scan3A_56 = arith.constant 25 : i32
      %scan3A_57 = arith.addi %scan3A_55, %scan3A_56 : i32
      %scan3A_58 = arith.constant 1 : i32
      scf.for %scan3A_73 = %scan3A_55 to %scan3A_57 step %scan3A_58  : i32 {
        %get3A = arith.index_cast %scan3A_73 : i32 to index
        %get3A_74 = arith.constant 0 : index
        %get3A_75 = tpu.vector_load %arg8[%get3A, %get3A_74] {strides = array<i32>} : memref<25x80xi32, #tpu.memory_space<vmem>>, vector<16xi32>,
        tpu.vector_store_idx %arg6[%get3A_75], %broadcast_in_dim3A_3 {add = true} : memref<10240xf32, #tpu.memory_space<vmem>>[vector<16xi32>], vector<16xf32>,
        %get3A_76 = arith.index_cast %scan3A_73 : i32 to index
        %get3A_77 = arith.constant 0 : index
        %get3A_78 = tpu.vector_load %arg9[%get3A_76, %get3A_77] {strides = array<i32>} : memref<25x80xi32, #tpu.memory_space<vmem>>, vector<16xi32>,
        tpu.vector_store_idx %arg7[%get3A_78], %broadcast_in_dim3A_3 {add = true} : memref<10240xf32, #tpu.memory_space<vmem>>[vector<16xi32>], vector<16xf32>,
        %get3A_79 = arith.index_cast %scan3A_73 : i32 to index
        %get3A_80 = arith.constant 16 : index
        %get3A_81 = tpu.vector_load %arg8[%get3A_79, %get3A_80] {strides = array<i32>} : memref<25x80xi32, #tpu.memory_space<vmem>>, vector<16xi32>,
        tpu.vector_store_idx %arg6[%get3A_81], %broadcast_in_dim3A_3 {add = true} : memref<10240xf32, #tpu.memory_space<vmem>>[vector<16xi32>], vector<16xf32>,
        %get3A_82 = arith.index_cast %scan3A_73 : i32 to index
        %get3A_83 = arith.constant 16 : index
        %get3A_84 = tpu.vector_load %arg9[%get3A_82, %get3A_83] {strides = array<i32>} : memref<25x80xi32, #tpu.memory_space<vmem>>, vector<16xi32>,
        tpu.vector_store_idx %arg7[%get3A_84], %broadcast_in_dim3A_3 {add = true} : memref<10240xf32, #tpu.memory_space<vmem>>[vector<16xi32>], vector<16xf32>,
        %get3A_85 = arith.index_cast %scan3A_73 : i32 to index
        %get3A_86 = arith.constant 32 : index
        %get3A_87 = tpu.vector_load %arg8[%get3A_85, %get3A_86] {strides = array<i32>} : memref<25x80xi32, #tpu.memory_space<vmem>>, vector<16xi32>,
        tpu.vector_store_idx %arg6[%get3A_87], %broadcast_in_dim3A_3 {add = true} : memref<10240xf32, #tpu.memory_space<vmem>>[vector<16xi32>], vector<16xf32>,
        %get3A_88 = arith.index_cast %scan3A_73 : i32 to index
        %get3A_89 = arith.constant 32 : index
        %get3A_90 = tpu.vector_load %arg9[%get3A_88, %get3A_89] {strides = array<i32>} : memref<25x80xi32, #tpu.memory_space<vmem>>, vector<16xi32>,
        tpu.vector_store_idx %arg7[%get3A_90], %broadcast_in_dim3A_3 {add = true} : memref<10240xf32, #tpu.memory_space<vmem>>[vector<16xi32>], vector<16xf32>,
        %get3A_91 = arith.index_cast %scan3A_73 : i32 to index
        %get3A_92 = arith.constant 48 : index
        %get3A_93 = tpu.vector_load %arg8[%get3A_91, %get3A_92] {strides = array<i32>} : memref<25x80xi32, #tpu.memory_space<vmem>>, vector<16xi32>,
        tpu.vector_store_idx %arg6[%get3A_93], %broadcast_in_dim3A_3 {add = true} : memref<10240xf32, #tpu.memory_space<vmem>>[vector<16xi32>], vector<16xf32>,
        %get3A_94 = arith.index_cast %scan3A_73 : i32 to index
        %get3A_95 = arith.constant 48 : index
        %get3A_96 = tpu.vector_load %arg9[%get3A_94, %get3A_95] {strides = array<i32>} : memref<25x80xi32, #tpu.memory_space<vmem>>, vector<16xi32>,
        tpu.vector_store_idx %arg7[%get3A_96], %broadcast_in_dim3A_3 {add = true} : memref<10240xf32, #tpu.memory_space<vmem>>[vector<16xi32>], vector<16xf32>,
        %get3A_97 = arith.index_cast %scan3A_73 : i32 to index
        %get3A_98 = arith.constant 64 : index
        %get3A_99 = tpu.vector_load %arg8[%get3A_97, %get3A_98] {strides = array<i32>} : memref<25x80xi32, #tpu.memory_space<vmem>>, vector<16xi32>,
        tpu.vector_store_idx %arg6[%get3A_99], %broadcast_in_dim3A_3 {add = true} : memref<10240xf32, #tpu.memory_space<vmem>>[vector<16xi32>], vector<16xf32>,
        %get3A_100 = arith.index_cast %scan3A_73 : i32 to index
        %get3A_101 = arith.constant 64 : index
        %get3A_102 = tpu.vector_load %arg9[%get3A_100, %get3A_101] {strides = array<i32>} : memref<25x80xi32, #tpu.memory_space<vmem>>, vector<16xi32>,
        tpu.vector_store_idx %arg7[%get3A_102], %broadcast_in_dim3A_3 {add = true} : memref<10240xf32, #tpu.memory_space<vmem>>[vector<16xi32>], vector<16xf32>,
      }
      %scan3A_59 = arith.constant 25 : i32
      %dma_wait3A = arith.constant 0 : i32
      %dma_wait3A_60 = arith.constant 0 : i32
      %dma_wait3A_61 = tpu.memref_slice %arg5[%add3A_41, %dma_wait3A, %dma_wait3A_60] : memref<4000x2x80xi32, #tpu.memory_space<hbm>> -> memref<25x1x80xi32, #tpu.memory_space<hbm>>
      %dma_wait3A_62 = tpu.memref_squeeze %dma_wait3A_61 : memref<25x1x80xi32, #tpu.memory_space<hbm>> -> memref<25x80xi32, #tpu.memory_space<hbm>>
      %dma_wait3A_63 = arith.constant 0 : i32
      %dma_wait3A_64 = tpu.memref_slice %arg5[%add3A_41, %dma_wait3A, %dma_wait3A_63] : memref<4000x2x80xi32, #tpu.memory_space<hbm>> -> memref<25x1x80xi32, #tpu.memory_space<hbm>>
      %dma_wait3A_65 = tpu.memref_squeeze %dma_wait3A_64 : memref<25x1x80xi32, #tpu.memory_space<hbm>> -> memref<25x80xi32, #tpu.memory_space<hbm>>
      tpu.wait_dma2 semaphore(%arg13 : memref<!tpu.dma_semaphore, #tpu.memory_space<semaphore_mem>>) src(%arg8 : memref<25x80xi32, #tpu.memory_space<vmem>>) dst(%dma_wait3A_65 : memref<25x80xi32, #tpu.memory_space<hbm>>)
      %dma_wait3A_66 = arith.constant 1 : i32
      %dma_wait3A_67 = arith.constant 0 : i32
      %dma_wait3A_68 = tpu.memref_slice %arg5[%add3A_41, %dma_wait3A_66, %dma_wait3A_67] : memref<4000x2x80xi32, #tpu.memory_space<hbm>> -> memref<25x1x80xi32, #tpu.memory_space<hbm>>
      %dma_wait3A_69 = tpu.memref_squeeze %dma_wait3A_68 : memref<25x1x80xi32, #tpu.memory_space<hbm>> -> memref<25x80xi32, #tpu.memory_space<hbm>>
      %dma_wait3A_70 = arith.constant 0 : i32
      %dma_wait3A_71 = tpu.memref_slice %arg5[%add3A_41, %dma_wait3A_66, %dma_wait3A_70] : memref<4000x2x80xi32, #tpu.memory_space<hbm>> -> memref<25x1x80xi32, #tpu.memory_space<hbm>>
      %dma_wait3A_72 = tpu.memref_squeeze %dma_wait3A_71 : memref<25x1x80xi32, #tpu.memory_space<hbm>> -> memref<25x80xi32, #tpu.memory_space<hbm>>
      tpu.wait_dma2 semaphore(%arg13 : memref<!tpu.dma_semaphore, #tpu.memory_space<semaphore_mem>>) src(%arg9 : memref<25x80xi32, #tpu.memory_space<vmem>>) dst(%dma_wait3A_72 : memref<25x80xi32, #tpu.memory_space<hbm>>)
    }
    %scan3A_14 = arith.constant 5 : i32
    %run_scoped3A = arith.constant 0 : i32
    "tpu.region"() ({
      %run_scoped3A_36 = tpu.sem_alloc : memref<!tpu.dma_semaphore, #tpu.memory_space<semaphore_mem>>
      %dma_start3A = arith.constant 0 : i32
      %dma_start3A_37 = tpu.memref_slice %arg10[%arg1, %run_scoped3A, %dma_start3A] : memref<16x2x10240xf32, #tpu.memory_space<vmem_shared>> -> memref<1x1x10240xf32, #tpu.memory_space<vmem_shared>>
      %dma_start3A_38 = tpu.memref_squeeze %dma_start3A_37 : memref<1x1x10240xf32, #tpu.memory_space<vmem_shared>> -> memref<10240xf32, #tpu.memory_space<vmem_shared>>
      %dma_start3A_39 = arith.constant 0 : i32
      %dma_start3A_40 = tpu.memref_slice %arg10[%arg1, %run_scoped3A, %dma_start3A_39] : memref<16x2x10240xf32, #tpu.memory_space<vmem_shared>> -> memref<1x1x10240xf32, #tpu.memory_space<vmem_shared>>
      %dma_start3A_41 = tpu.memref_squeeze %dma_start3A_40 : memref<1x1x10240xf32, #tpu.memory_space<vmem_shared>> -> memref<10240xf32, #tpu.memory_space<vmem_shared>>
      tpu.enqueue_dma source(%arg6 : memref<10240xf32, #tpu.memory_space<vmem>>) target(%dma_start3A_41 : memref<10240xf32, #tpu.memory_space<vmem_shared>>) target_semaphore(%run_scoped3A_36 : memref<!tpu.dma_semaphore, #tpu.memory_space<semaphore_mem>>)
      %dma_wait3A = arith.constant 0 : i32
      %dma_wait3A_42 = tpu.memref_slice %arg10[%arg1, %run_scoped3A, %dma_wait3A] : memref<16x2x10240xf32, #tpu.memory_space<vmem_shared>> -> memref<1x1x10240xf32, #tpu.memory_space<vmem_shared>>
      %dma_wait3A_43 = tpu.memref_squeeze %dma_wait3A_42 : memref<1x1x10240xf32, #tpu.memory_space<vmem_shared>> -> memref<10240xf32, #tpu.memory_space<vmem_shared>>
      %dma_wait3A_44 = arith.constant 0 : i32
      %dma_wait3A_45 = tpu.memref_slice %arg10[%arg1, %run_scoped3A, %dma_wait3A_44] : memref<16x2x10240xf32, #tpu.memory_space<vmem_shared>> -> memref<1x1x10240xf32, #tpu.memory_space<vmem_shared>>
      %dma_wait3A_46 = tpu.memref_squeeze %dma_wait3A_45 : memref<1x1x10240xf32, #tpu.memory_space<vmem_shared>> -> memref<10240xf32, #tpu.memory_space<vmem_shared>>
      tpu.wait_dma2 semaphore(%run_scoped3A_36 : memref<!tpu.dma_semaphore, #tpu.memory_space<semaphore_mem>>) src(%arg6 : memref<10240xf32, #tpu.memory_space<vmem>>) dst(%dma_wait3A_46 : memref<10240xf32, #tpu.memory_space<vmem_shared>>)
      tpu.yield
    }) : () -> ()
    %run_scoped3A_15 = arith.constant 1 : i32
    "tpu.region"() ({
      %run_scoped3A_36 = tpu.sem_alloc : memref<!tpu.dma_semaphore, #tpu.memory_space<semaphore_mem>>
      %dma_start3A = arith.constant 0 : i32
      %dma_start3A_37 = tpu.memref_slice %arg10[%arg1, %run_scoped3A_15, %dma_start3A] : memref<16x2x10240xf32, #tpu.memory_space<vmem_shared>> -> memref<1x1x10240xf32, #tpu.memory_space<vmem_shared>>
      %dma_start3A_38 = tpu.memref_squeeze %dma_start3A_37 : memref<1x1x10240xf32, #tpu.memory_space<vmem_shared>> -> memref<10240xf32, #tpu.memory_space<vmem_shared>>
      %dma_start3A_39 = arith.constant 0 : i32
      %dma_start3A_40 = tpu.memref_slice %arg10[%arg1, %run_scoped3A_15, %dma_start3A_39] : memref<16x2x10240xf32, #tpu.memory_space<vmem_shared>> -> memref<1x1x10240xf32, #tpu.memory_space<vmem_shared>>
      %dma_start3A_41 = tpu.memref_squeeze %dma_start3A_40 : memref<1x1x10240xf32, #tpu.memory_space<vmem_shared>> -> memref<10240xf32, #tpu.memory_space<vmem_shared>>
      tpu.enqueue_dma source(%arg7 : memref<10240xf32, #tpu.memory_space<vmem>>) target(%dma_start3A_41 : memref<10240xf32, #tpu.memory_space<vmem_shared>>) target_semaphore(%run_scoped3A_36 : memref<!tpu.dma_semaphore, #tpu.memory_space<semaphore_mem>>)
      %dma_wait3A = arith.constant 0 : i32
      %dma_wait3A_42 = tpu.memref_slice %arg10[%arg1, %run_scoped3A_15, %dma_wait3A] : memref<16x2x10240xf32, #tpu.memory_space<vmem_shared>> -> memref<1x1x10240xf32, #tpu.memory_space<vmem_shared>>
      %dma_wait3A_43 = tpu.memref_squeeze %dma_wait3A_42 : memref<1x1x10240xf32, #tpu.memory_space<vmem_shared>> -> memref<10240xf32, #tpu.memory_space<vmem_shared>>
      %dma_wait3A_44 = arith.constant 0 : i32
      %dma_wait3A_45 = tpu.memref_slice %arg10[%arg1, %run_scoped3A_15, %dma_wait3A_44] : memref<16x2x10240xf32, #tpu.memory_space<vmem_shared>> -> memref<1x1x10240xf32, #tpu.memory_space<vmem_shared>>
      %dma_wait3A_46 = tpu.memref_squeeze %dma_wait3A_45 : memref<1x1x10240xf32, #tpu.memory_space<vmem_shared>> -> memref<10240xf32, #tpu.memory_space<vmem_shared>>
      tpu.wait_dma2 semaphore(%run_scoped3A_36 : memref<!tpu.dma_semaphore, #tpu.memory_space<semaphore_mem>>) src(%arg7 : memref<10240xf32, #tpu.memory_space<vmem>>) dst(%dma_wait3A_46 : memref<10240xf32, #tpu.memory_space<vmem_shared>>)
      tpu.yield
    }) : () -> ()
    %barrier3A = arith.constant 0 : index
    tpu.barrier barrier_id(%barrier3A)
    %mul3A_16 = arith.constant 640 : i32
    %mul3A_17 = arith.muli %arg1, %mul3A_16 : i32
    %multiple_of3A = tpu.assume_multiple %mul3A_17, 8 : i32
    "tpu.region"() ({
      %run_scoped3A_36 = tpu.sem_alloc : memref<!tpu.dma_semaphore, #tpu.memory_space<semaphore_mem>>
      %dma_start3A = arith.constant 0 : i32
      %dma_start3A_37 = arith.constant 0 : i32
      %dma_start3A_38 = tpu.memref_slice %arg10[%dma_start3A, %dma_start3A_37, %multiple_of3A] : memref<16x2x10240xf32, #tpu.memory_space<vmem_shared>> -> memref<16x2x640xf32, #tpu.memory_space<vmem_shared>>
      %dma_start3A_39 = arith.constant 0 : i32
      %dma_start3A_40 = arith.constant 0 : i32
      %dma_start3A_41 = tpu.memref_slice %arg10[%dma_start3A_39, %dma_start3A_40, %multiple_of3A] : memref<16x2x10240xf32, #tpu.memory_space<vmem_shared>> -> memref<16x2x640xf32, #tpu.memory_space<vmem_shared>>
      tpu.enqueue_dma source(%dma_start3A_41 : memref<16x2x640xf32, #tpu.memory_space<vmem_shared>>) target(%arg11 : memref<16x2x640xf32, #tpu.memory_space<vmem>>) target_semaphore(%run_scoped3A_36 : memref<!tpu.dma_semaphore, #tpu.memory_space<semaphore_mem>>)
      %dma_wait3A = arith.constant 0 : i32
      %dma_wait3A_42 = arith.constant 0 : i32
      %dma_wait3A_43 = tpu.memref_slice %arg10[%dma_wait3A, %dma_wait3A_42, %multiple_of3A] : memref<16x2x10240xf32, #tpu.memory_space<vmem_shared>> -> memref<16x2x640xf32, #tpu.memory_space<vmem_shared>>
      %dma_wait3A_44 = arith.constant 0 : i32
      %dma_wait3A_45 = arith.constant 0 : i32
      %dma_wait3A_46 = tpu.memref_slice %arg10[%dma_wait3A_44, %dma_wait3A_45, %multiple_of3A] : memref<16x2x10240xf32, #tpu.memory_space<vmem_shared>> -> memref<16x2x640xf32, #tpu.memory_space<vmem_shared>>
      tpu.wait_dma2 semaphore(%run_scoped3A_36 : memref<!tpu.dma_semaphore, #tpu.memory_space<semaphore_mem>>) src(%dma_wait3A_46 : memref<16x2x640xf32, #tpu.memory_space<vmem_shared>>) dst(%arg11 : memref<16x2x640xf32, #tpu.memory_space<vmem>>)
      tpu.yield
    }) : () -> ()
    %scan3A_18 = arith.constant 0 : i32
    %scan3A_19 = arith.constant 0 : i32
    %scan3A_20 = arith.constant 40 : i32
    %scan3A_21 = arith.addi %scan3A_19, %scan3A_20 : i32
    %scan3A_22 = arith.constant 1 : i32
    scf.for %scan3A_36 = %scan3A_19 to %scan3A_21 step %scan3A_22  : i32 {
      %mul3A_37 = arith.constant 16 : i32
      %mul3A_38 = arith.muli %scan3A_36, %mul3A_37 : i32
      %get3A = arith.constant 0 : i32
      %get3A_39 = arith.constant 0 : i32
      %get3A_40 = arith.index_cast %get3A : i32 to index
      %get3A_41 = arith.index_cast %get3A_39 : i32 to index
      %get3A_42 = arith.index_cast %mul3A_38 : i32 to index
      %get3A_43 = tpu.vector_load %arg11[%get3A_40, %get3A_41, %get3A_42] {strides = array<i32>} : memref<16x2x640xf32, #tpu.memory_space<vmem>>, vector<16xf32>,
      %mul3A_44 = arith.constant 16 : i32
      %mul3A_45 = arith.muli %scan3A_36, %mul3A_44 : i32
      %get3A_46 = arith.constant 1 : i32
      %get3A_47 = arith.constant 0 : i32
      %get3A_48 = arith.index_cast %get3A_46 : i32 to index
      %get3A_49 = arith.index_cast %get3A_47 : i32 to index
      %get3A_50 = arith.index_cast %mul3A_45 : i32 to index
      %get3A_51 = tpu.vector_load %arg11[%get3A_48, %get3A_49, %get3A_50] {strides = array<i32>} : memref<16x2x640xf32, #tpu.memory_space<vmem>>, vector<16xf32>,
      %add3A_52 = arith.addf %get3A_43, %get3A_51 : vector<16xf32>
      %mul3A_53 = arith.constant 16 : i32
      %mul3A_54 = arith.muli %scan3A_36, %mul3A_53 : i32
      %get3A_55 = arith.constant 2 : i32
      %get3A_56 = arith.constant 0 : i32
      %get3A_57 = arith.index_cast %get3A_55 : i32 to index
      %get3A_58 = arith.index_cast %get3A_56 : i32 to index
      %get3A_59 = arith.index_cast %mul3A_54 : i32 to index
      %get3A_60 = tpu.vector_load %arg11[%get3A_57, %get3A_58, %get3A_59] {strides = array<i32>} : memref<16x2x640xf32, #tpu.memory_space<vmem>>, vector<16xf32>,
      %add3A_61 = arith.addf %add3A_52, %get3A_60 : vector<16xf32>
      %mul3A_62 = arith.constant 16 : i32
      %mul3A_63 = arith.muli %scan3A_36, %mul3A_62 : i32
      %get3A_64 = arith.constant 3 : i32
      %get3A_65 = arith.constant 0 : i32
      %get3A_66 = arith.index_cast %get3A_64 : i32 to index
      %get3A_67 = arith.index_cast %get3A_65 : i32 to index
      %get3A_68 = arith.index_cast %mul3A_63 : i32 to index
      %get3A_69 = tpu.vector_load %arg11[%get3A_66, %get3A_67, %get3A_68] {strides = array<i32>} : memref<16x2x640xf32, #tpu.memory_space<vmem>>, vector<16xf32>,
      %add3A_70 = arith.addf %add3A_61, %get3A_69 : vector<16xf32>
      %mul3A_71 = arith.constant 16 : i32
      %mul3A_72 = arith.muli %scan3A_36, %mul3A_71 : i32
      %get3A_73 = arith.constant 4 : i32
      %get3A_74 = arith.constant 0 : i32
      %get3A_75 = arith.index_cast %get3A_73 : i32 to index
      %get3A_76 = arith.index_cast %get3A_74 : i32 to index
      %get3A_77 = arith.index_cast %mul3A_72 : i32 to index
      %get3A_78 = tpu.vector_load %arg11[%get3A_75, %get3A_76, %get3A_77] {strides = array<i32>} : memref<16x2x640xf32, #tpu.memory_space<vmem>>, vector<16xf32>,
      %add3A_79 = arith.addf %add3A_70, %get3A_78 : vector<16xf32>
      %mul3A_80 = arith.constant 16 : i32
      %mul3A_81 = arith.muli %scan3A_36, %mul3A_80 : i32
      %get3A_82 = arith.constant 5 : i32
      %get3A_83 = arith.constant 0 : i32
      %get3A_84 = arith.index_cast %get3A_82 : i32 to index
      %get3A_85 = arith.index_cast %get3A_83 : i32 to index
      %get3A_86 = arith.index_cast %mul3A_81 : i32 to index
      %get3A_87 = tpu.vector_load %arg11[%get3A_84, %get3A_85, %get3A_86] {strides = array<i32>} : memref<16x2x640xf32, #tpu.memory_space<vmem>>, vector<16xf32>,
      %add3A_88 = arith.addf %add3A_79, %get3A_87 : vector<16xf32>
      %mul3A_89 = arith.constant 16 : i32
      %mul3A_90 = arith.muli %scan3A_36, %mul3A_89 : i32
      %get3A_91 = arith.constant 6 : i32
      %get3A_92 = arith.constant 0 : i32
      %get3A_93 = arith.index_cast %get3A_91 : i32 to index
      %get3A_94 = arith.index_cast %get3A_92 : i32 to index
      %get3A_95 = arith.index_cast %mul3A_90 : i32 to index
      %get3A_96 = tpu.vector_load %arg11[%get3A_93, %get3A_94, %get3A_95] {strides = array<i32>} : memref<16x2x640xf32, #tpu.memory_space<vmem>>, vector<16xf32>,
      %add3A_97 = arith.addf %add3A_88, %get3A_96 : vector<16xf32>
      %mul3A_98 = arith.constant 16 : i32
      %mul3A_99 = arith.muli %scan3A_36, %mul3A_98 : i32
      %get3A_100 = arith.constant 7 : i32
      %get3A_101 = arith.constant 0 : i32
      %get3A_102 = arith.index_cast %get3A_100 : i32 to index
      %get3A_103 = arith.index_cast %get3A_101 : i32 to index
      %get3A_104 = arith.index_cast %mul3A_99 : i32 to index
      %get3A_105 = tpu.vector_load %arg11[%get3A_102, %get3A_103, %get3A_104] {strides = array<i32>} : memref<16x2x640xf32, #tpu.memory_space<vmem>>, vector<16xf32>,
      %add3A_106 = arith.addf %add3A_97, %get3A_105 : vector<16xf32>
      %mul3A_107 = arith.constant 16 : i32
      %mul3A_108 = arith.muli %scan3A_36, %mul3A_107 : i32
      %get3A_109 = arith.constant 8 : i32
      %get3A_110 = arith.constant 0 : i32
      %get3A_111 = arith.index_cast %get3A_109 : i32 to index
      %get3A_112 = arith.index_cast %get3A_110 : i32 to index
      %get3A_113 = arith.index_cast %mul3A_108 : i32 to index
      %get3A_114 = tpu.vector_load %arg11[%get3A_111, %get3A_112, %get3A_113] {strides = array<i32>} : memref<16x2x640xf32, #tpu.memory_space<vmem>>, vector<16xf32>,
      %add3A_115 = arith.addf %add3A_106, %get3A_114 : vector<16xf32>
      %mul3A_116 = arith.constant 16 : i32
      %mul3A_117 = arith.muli %scan3A_36, %mul3A_116 : i32
      %get3A_118 = arith.constant 9 : i32
      %get3A_119 = arith.constant 0 : i32
      %get3A_120 = arith.index_cast %get3A_118 : i32 to index
      %get3A_121 = arith.index_cast %get3A_119 : i32 to index
      %get3A_122 = arith.index_cast %mul3A_117 : i32 to index
      %get3A_123 = tpu.vector_load %arg11[%get3A_120, %get3A_121, %get3A_122] {strides = array<i32>} : memref<16x2x640xf32, #tpu.memory_space<vmem>>, vector<16xf32>,
      %add3A_124 = arith.addf %add3A_115, %get3A_123 : vector<16xf32>
      %mul3A_125 = arith.constant 16 : i32
      %mul3A_126 = arith.muli %scan3A_36, %mul3A_125 : i32
      %get3A_127 = arith.constant 10 : i32
      %get3A_128 = arith.constant 0 : i32
      %get3A_129 = arith.index_cast %get3A_127 : i32 to index
      %get3A_130 = arith.index_cast %get3A_128 : i32 to index
      %get3A_131 = arith.index_cast %mul3A_126 : i32 to index
      %get3A_132 = tpu.vector_load %arg11[%get3A_129, %get3A_130, %get3A_131] {strides = array<i32>} : memref<16x2x640xf32, #tpu.memory_space<vmem>>, vector<16xf32>,
      %add3A_133 = arith.addf %add3A_124, %get3A_132 : vector<16xf32>
      %mul3A_134 = arith.constant 16 : i32
      %mul3A_135 = arith.muli %scan3A_36, %mul3A_134 : i32
      %get3A_136 = arith.constant 11 : i32
      %get3A_137 = arith.constant 0 : i32
      %get3A_138 = arith.index_cast %get3A_136 : i32 to index
      %get3A_139 = arith.index_cast %get3A_137 : i32 to index
      %get3A_140 = arith.index_cast %mul3A_135 : i32 to index
      %get3A_141 = tpu.vector_load %arg11[%get3A_138, %get3A_139, %get3A_140] {strides = array<i32>} : memref<16x2x640xf32, #tpu.memory_space<vmem>>, vector<16xf32>,
      %add3A_142 = arith.addf %add3A_133, %get3A_141 : vector<16xf32>
      %mul3A_143 = arith.constant 16 : i32
      %mul3A_144 = arith.muli %scan3A_36, %mul3A_143 : i32
      %get3A_145 = arith.constant 12 : i32
      %get3A_146 = arith.constant 0 : i32
      %get3A_147 = arith.index_cast %get3A_145 : i32 to index
      %get3A_148 = arith.index_cast %get3A_146 : i32 to index
      %get3A_149 = arith.index_cast %mul3A_144 : i32 to index
      %get3A_150 = tpu.vector_load %arg11[%get3A_147, %get3A_148, %get3A_149] {strides = array<i32>} : memref<16x2x640xf32, #tpu.memory_space<vmem>>, vector<16xf32>,
      %add3A_151 = arith.addf %add3A_142, %get3A_150 : vector<16xf32>
      %mul3A_152 = arith.constant 16 : i32
      %mul3A_153 = arith.muli %scan3A_36, %mul3A_152 : i32
      %get3A_154 = arith.constant 13 : i32
      %get3A_155 = arith.constant 0 : i32
      %get3A_156 = arith.index_cast %get3A_154 : i32 to index
      %get3A_157 = arith.index_cast %get3A_155 : i32 to index
      %get3A_158 = arith.index_cast %mul3A_153 : i32 to index
      %get3A_159 = tpu.vector_load %arg11[%get3A_156, %get3A_157, %get3A_158] {strides = array<i32>} : memref<16x2x640xf32, #tpu.memory_space<vmem>>, vector<16xf32>,
      %add3A_160 = arith.addf %add3A_151, %get3A_159 : vector<16xf32>
      %mul3A_161 = arith.constant 16 : i32
      %mul3A_162 = arith.muli %scan3A_36, %mul3A_161 : i32
      %get3A_163 = arith.constant 14 : i32
      %get3A_164 = arith.constant 0 : i32
      %get3A_165 = arith.index_cast %get3A_163 : i32 to index
      %get3A_166 = arith.index_cast %get3A_164 : i32 to index
      %get3A_167 = arith.index_cast %mul3A_162 : i32 to index
      %get3A_168 = tpu.vector_load %arg11[%get3A_165, %get3A_166, %get3A_167] {strides = array<i32>} : memref<16x2x640xf32, #tpu.memory_space<vmem>>, vector<16xf32>,
      %add3A_169 = arith.addf %add3A_160, %get3A_168 : vector<16xf32>
      %mul3A_170 = arith.constant 16 : i32
      %mul3A_171 = arith.muli %scan3A_36, %mul3A_170 : i32
      %get3A_172 = arith.constant 15 : i32
      %get3A_173 = arith.constant 0 : i32
      %get3A_174 = arith.index_cast %get3A_172 : i32 to index
      %get3A_175 = arith.index_cast %get3A_173 : i32 to index
      %get3A_176 = arith.index_cast %mul3A_171 : i32 to index
      %get3A_177 = tpu.vector_load %arg11[%get3A_174, %get3A_175, %get3A_176] {strides = array<i32>} : memref<16x2x640xf32, #tpu.memory_space<vmem>>, vector<16xf32>,
      %add3A_178 = arith.addf %add3A_169, %get3A_177 : vector<16xf32>
      %mul3A_179 = arith.constant 16 : i32
      %mul3A_180 = arith.muli %scan3A_36, %mul3A_179 : i32
      %swap3A = arith.constant 0 : i32
      %swap3A_181 = arith.index_cast %swap3A : i32 to index
      %swap3A_182 = arith.index_cast %mul3A_180 : i32 to index
      %swap3A_183 = tpu.vector_load %arg12[%swap3A_181, %swap3A_182] {strides = array<i32>} : memref<2x640xf32, #tpu.memory_space<vmem>>, vector<16xf32>,
      tpu.vector_store %arg12[%swap3A_181, %swap3A_182], %add3A_178 {strides = array<i32>} : memref<2x640xf32, #tpu.memory_space<vmem>>, vector<16xf32>,
      %mul3A_184 = arith.constant 16 : i32
      %mul3A_185 = arith.muli %scan3A_36, %mul3A_184 : i32
      %get3A_186 = arith.constant 0 : i32
      %get3A_187 = arith.constant 1 : i32
      %get3A_188 = arith.index_cast %get3A_186 : i32 to index
      %get3A_189 = arith.index_cast %get3A_187 : i32 to index
      %get3A_190 = arith.index_cast %mul3A_185 : i32 to index
      %get3A_191 = tpu.vector_load %arg11[%get3A_188, %get3A_189, %get3A_190] {strides = array<i32>} : memref<16x2x640xf32, #tpu.memory_space<vmem>>, vector<16xf32>,
      %mul3A_192 = arith.constant 16 : i32
      %mul3A_193 = arith.muli %scan3A_36, %mul3A_192 : i32
      %get3A_194 = arith.constant 1 : i32
      %get3A_195 = arith.constant 1 : i32
      %get3A_196 = arith.index_cast %get3A_194 : i32 to index
      %get3A_197 = arith.index_cast %get3A_195 : i32 to index
      %get3A_198 = arith.index_cast %mul3A_193 : i32 to index
      %get3A_199 = tpu.vector_load %arg11[%get3A_196, %get3A_197, %get3A_198] {strides = array<i32>} : memref<16x2x640xf32, #tpu.memory_space<vmem>>, vector<16xf32>,
      %add3A_200 = arith.addf %get3A_191, %get3A_199 : vector<16xf32>
      %mul3A_201 = arith.constant 16 : i32
      %mul3A_202 = arith.muli %scan3A_36, %mul3A_201 : i32
      %get3A_203 = arith.constant 2 : i32
      %get3A_204 = arith.constant 1 : i32
      %get3A_205 = arith.index_cast %get3A_203 : i32 to index
      %get3A_206 = arith.index_cast %get3A_204 : i32 to index
      %get3A_207 = arith.index_cast %mul3A_202 : i32 to index
      %get3A_208 = tpu.vector_load %arg11[%get3A_205, %get3A_206, %get3A_207] {strides = array<i32>} : memref<16x2x640xf32, #tpu.memory_space<vmem>>, vector<16xf32>,
      %add3A_209 = arith.addf %add3A_200, %get3A_208 : vector<16xf32>
      %mul3A_210 = arith.constant 16 : i32
      %mul3A_211 = arith.muli %scan3A_36, %mul3A_210 : i32
      %get3A_212 = arith.constant 3 : i32
      %get3A_213 = arith.constant 1 : i32
      %get3A_214 = arith.index_cast %get3A_212 : i32 to index
      %get3A_215 = arith.index_cast %get3A_213 : i32 to index
      %get3A_216 = arith.index_cast %mul3A_211 : i32 to index
      %get3A_217 = tpu.vector_load %arg11[%get3A_214, %get3A_215, %get3A_216] {strides = array<i32>} : memref<16x2x640xf32, #tpu.memory_space<vmem>>, vector<16xf32>,
      %add3A_218 = arith.addf %add3A_209, %get3A_217 : vector<16xf32>
      %mul3A_219 = arith.constant 16 : i32
      %mul3A_220 = arith.muli %scan3A_36, %mul3A_219 : i32
      %get3A_221 = arith.constant 4 : i32
      %get3A_222 = arith.constant 1 : i32
      %get3A_223 = arith.index_cast %get3A_221 : i32 to index
      %get3A_224 = arith.index_cast %get3A_222 : i32 to index
      %get3A_225 = arith.index_cast %mul3A_220 : i32 to index
      %get3A_226 = tpu.vector_load %arg11[%get3A_223, %get3A_224, %get3A_225] {strides = array<i32>} : memref<16x2x640xf32, #tpu.memory_space<vmem>>, vector<16xf32>,
      %add3A_227 = arith.addf %add3A_218, %get3A_226 : vector<16xf32>
      %mul3A_228 = arith.constant 16 : i32
      %mul3A_229 = arith.muli %scan3A_36, %mul3A_228 : i32
      %get3A_230 = arith.constant 5 : i32
      %get3A_231 = arith.constant 1 : i32
      %get3A_232 = arith.index_cast %get3A_230 : i32 to index
      %get3A_233 = arith.index_cast %get3A_231 : i32 to index
      %get3A_234 = arith.index_cast %mul3A_229 : i32 to index
      %get3A_235 = tpu.vector_load %arg11[%get3A_232, %get3A_233, %get3A_234] {strides = array<i32>} : memref<16x2x640xf32, #tpu.memory_space<vmem>>, vector<16xf32>,
      %add3A_236 = arith.addf %add3A_227, %get3A_235 : vector<16xf32>
      %mul3A_237 = arith.constant 16 : i32
      %mul3A_238 = arith.muli %scan3A_36, %mul3A_237 : i32
      %get3A_239 = arith.constant 6 : i32
      %get3A_240 = arith.constant 1 : i32
      %get3A_241 = arith.index_cast %get3A_239 : i32 to index
      %get3A_242 = arith.index_cast %get3A_240 : i32 to index
      %get3A_243 = arith.index_cast %mul3A_238 : i32 to index
      %get3A_244 = tpu.vector_load %arg11[%get3A_241, %get3A_242, %get3A_243] {strides = array<i32>} : memref<16x2x640xf32, #tpu.memory_space<vmem>>, vector<16xf32>,
      %add3A_245 = arith.addf %add3A_236, %get3A_244 : vector<16xf32>
      %mul3A_246 = arith.constant 16 : i32
      %mul3A_247 = arith.muli %scan3A_36, %mul3A_246 : i32
      %get3A_248 = arith.constant 7 : i32
      %get3A_249 = arith.constant 1 : i32
      %get3A_250 = arith.index_cast %get3A_248 : i32 to index
      %get3A_251 = arith.index_cast %get3A_249 : i32 to index
      %get3A_252 = arith.index_cast %mul3A_247 : i32 to index
      %get3A_253 = tpu.vector_load %arg11[%get3A_250, %get3A_251, %get3A_252] {strides = array<i32>} : memref<16x2x640xf32, #tpu.memory_space<vmem>>, vector<16xf32>,
      %add3A_254 = arith.addf %add3A_245, %get3A_253 : vector<16xf32>
      %mul3A_255 = arith.constant 16 : i32
      %mul3A_256 = arith.muli %scan3A_36, %mul3A_255 : i32
      %get3A_257 = arith.constant 8 : i32
      %get3A_258 = arith.constant 1 : i32
      %get3A_259 = arith.index_cast %get3A_257 : i32 to index
      %get3A_260 = arith.index_cast %get3A_258 : i32 to index
      %get3A_261 = arith.index_cast %mul3A_256 : i32 to index
      %get3A_262 = tpu.vector_load %arg11[%get3A_259, %get3A_260, %get3A_261] {strides = array<i32>} : memref<16x2x640xf32, #tpu.memory_space<vmem>>, vector<16xf32>,
      %add3A_263 = arith.addf %add3A_254, %get3A_262 : vector<16xf32>
      %mul3A_264 = arith.constant 16 : i32
      %mul3A_265 = arith.muli %scan3A_36, %mul3A_264 : i32
      %get3A_266 = arith.constant 9 : i32
      %get3A_267 = arith.constant 1 : i32
      %get3A_268 = arith.index_cast %get3A_266 : i32 to index
      %get3A_269 = arith.index_cast %get3A_267 : i32 to index
      %get3A_270 = arith.index_cast %mul3A_265 : i32 to index
      %get3A_271 = tpu.vector_load %arg11[%get3A_268, %get3A_269, %get3A_270] {strides = array<i32>} : memref<16x2x640xf32, #tpu.memory_space<vmem>>, vector<16xf32>,
      %add3A_272 = arith.addf %add3A_263, %get3A_271 : vector<16xf32>
      %mul3A_273 = arith.constant 16 : i32
      %mul3A_274 = arith.muli %scan3A_36, %mul3A_273 : i32
      %get3A_275 = arith.constant 10 : i32
      %get3A_276 = arith.constant 1 : i32
      %get3A_277 = arith.index_cast %get3A_275 : i32 to index
      %get3A_278 = arith.index_cast %get3A_276 : i32 to index
      %get3A_279 = arith.index_cast %mul3A_274 : i32 to index
      %get3A_280 = tpu.vector_load %arg11[%get3A_277, %get3A_278, %get3A_279] {strides = array<i32>} : memref<16x2x640xf32, #tpu.memory_space<vmem>>, vector<16xf32>,
      %add3A_281 = arith.addf %add3A_272, %get3A_280 : vector<16xf32>
      %mul3A_282 = arith.constant 16 : i32
      %mul3A_283 = arith.muli %scan3A_36, %mul3A_282 : i32
      %get3A_284 = arith.constant 11 : i32
      %get3A_285 = arith.constant 1 : i32
      %get3A_286 = arith.index_cast %get3A_284 : i32 to index
      %get3A_287 = arith.index_cast %get3A_285 : i32 to index
      %get3A_288 = arith.index_cast %mul3A_283 : i32 to index
      %get3A_289 = tpu.vector_load %arg11[%get3A_286, %get3A_287, %get3A_288] {strides = array<i32>} : memref<16x2x640xf32, #tpu.memory_space<vmem>>, vector<16xf32>,
      %add3A_290 = arith.addf %add3A_281, %get3A_289 : vector<16xf32>
      %mul3A_291 = arith.constant 16 : i32
      %mul3A_292 = arith.muli %scan3A_36, %mul3A_291 : i32
      %get3A_293 = arith.constant 12 : i32
      %get3A_294 = arith.constant 1 : i32
      %get3A_295 = arith.index_cast %get3A_293 : i32 to index
      %get3A_296 = arith.index_cast %get3A_294 : i32 to index
      %get3A_297 = arith.index_cast %mul3A_292 : i32 to index
      %get3A_298 = tpu.vector_load %arg11[%get3A_295, %get3A_296, %get3A_297] {strides = array<i32>} : memref<16x2x640xf32, #tpu.memory_space<vmem>>, vector<16xf32>,
      %add3A_299 = arith.addf %add3A_290, %get3A_298 : vector<16xf32>
      %mul3A_300 = arith.constant 16 : i32
      %mul3A_301 = arith.muli %scan3A_36, %mul3A_300 : i32
      %get3A_302 = arith.constant 13 : i32
      %get3A_303 = arith.constant 1 : i32
      %get3A_304 = arith.index_cast %get3A_302 : i32 to index
      %get3A_305 = arith.index_cast %get3A_303 : i32 to index
      %get3A_306 = arith.index_cast %mul3A_301 : i32 to index
      %get3A_307 = tpu.vector_load %arg11[%get3A_304, %get3A_305, %get3A_306] {strides = array<i32>} : memref<16x2x640xf32, #tpu.memory_space<vmem>>, vector<16xf32>,
      %add3A_308 = arith.addf %add3A_299, %get3A_307 : vector<16xf32>
      %mul3A_309 = arith.constant 16 : i32
      %mul3A_310 = arith.muli %scan3A_36, %mul3A_309 : i32
      %get3A_311 = arith.constant 14 : i32
      %get3A_312 = arith.constant 1 : i32
      %get3A_313 = arith.index_cast %get3A_311 : i32 to index
      %get3A_314 = arith.index_cast %get3A_312 : i32 to index
      %get3A_315 = arith.index_cast %mul3A_310 : i32 to index
      %get3A_316 = tpu.vector_load %arg11[%get3A_313, %get3A_314, %get3A_315] {strides = array<i32>} : memref<16x2x640xf32, #tpu.memory_space<vmem>>, vector<16xf32>,
      %add3A_317 = arith.addf %add3A_308, %get3A_316 : vector<16xf32>
      %mul3A_318 = arith.constant 16 : i32
      %mul3A_319 = arith.muli %scan3A_36, %mul3A_318 : i32
      %get3A_320 = arith.constant 15 : i32
      %get3A_321 = arith.constant 1 : i32
      %get3A_322 = arith.index_cast %get3A_320 : i32 to index
      %get3A_323 = arith.index_cast %get3A_321 : i32 to index
      %get3A_324 = arith.index_cast %mul3A_319 : i32 to index
      %get3A_325 = tpu.vector_load %arg11[%get3A_322, %get3A_323, %get3A_324] {strides = array<i32>} : memref<16x2x640xf32, #tpu.memory_space<vmem>>, vector<16xf32>,
      %add3A_326 = arith.addf %add3A_317, %get3A_325 : vector<16xf32>
      %mul3A_327 = arith.constant 16 : i32
      %mul3A_328 = arith.muli %scan3A_36, %mul3A_327 : i32
      %swap3A_329 = arith.constant 1 : i32
      %swap3A_330 = arith.index_cast %swap3A_329 : i32 to index
      %swap3A_331 = arith.index_cast %mul3A_328 : i32 to index
      %swap3A_332 = tpu.vector_load %arg12[%swap3A_330, %swap3A_331] {strides = array<i32>} : memref<2x640xf32, #tpu.memory_space<vmem>>, vector<16xf32>,
      tpu.vector_store %arg12[%swap3A_330, %swap3A_331], %add3A_326 {strides = array<i32>} : memref<2x640xf32, #tpu.memory_space<vmem>>, vector<16xf32>,
    }
    %scan3A_23 = arith.constant 40 : i32
    %mul3A_24 = arith.constant 4 : i32
    %mul3A_25 = arith.muli %mul3A_24, %arg0 : i32
    "tpu.region"() ({
      %run_scoped3A_36 = tpu.sem_alloc : memref<!tpu.dma_semaphore, #tpu.memory_space<semaphore_mem>>
      %dma_start3A = tpu.memref_slice %arg4[%mul3A_25, %multiple_of3A] : memref<8x10240xf32, #tpu.memory_space<hbm>> -> memref<2x640xf32, #tpu.memory_space<hbm>>
      %dma_start3A_37 = tpu.memref_slice %arg4[%mul3A_25, %multiple_of3A] : memref<8x10240xf32, #tpu.memory_space<hbm>> -> memref<2x640xf32, #tpu.memory_space<hbm>>
      tpu.enqueue_dma source(%arg12 : memref<2x640xf32, #tpu.memory_space<vmem>>) target(%dma_start3A_37 : memref<2x640xf32, #tpu.memory_space<hbm>>) target_semaphore(%run_scoped3A_36 : memref<!tpu.dma_semaphore, #tpu.memory_space<semaphore_mem>>)
      %dma_wait3A = tpu.memref_slice %arg4[%mul3A_25, %multiple_of3A] : memref<8x10240xf32, #tpu.memory_space<hbm>> -> memref<2x640xf32, #tpu.memory_space<hbm>>
      %dma_wait3A_38 = tpu.memref_slice %arg4[%mul3A_25, %multiple_of3A] : memref<8x10240xf32, #tpu.memory_space<hbm>> -> memref<2x640xf32, #tpu.memory_space<hbm>>
      tpu.wait_dma2 semaphore(%run_scoped3A_36 : memref<!tpu.dma_semaphore, #tpu.memory_space<semaphore_mem>>) src(%arg12 : memref<2x640xf32, #tpu.memory_space<vmem>>) dst(%dma_wait3A_38 : memref<2x640xf32, #tpu.memory_space<hbm>>)
      tpu.yield
    }) : () -> ()
    %scan3A_26 = arith.constant 0 : i32
    %scan3A_27 = arith.constant 0 : i32
    %scan3A_28 = arith.constant 40 : i32
    %scan3A_29 = arith.addi %scan3A_27, %scan3A_28 : i32
    %scan3A_30 = arith.constant 1 : i32
    scf.for %scan3A_36 = %scan3A_27 to %scan3A_29 step %scan3A_30  : i32 {
      %mul3A_37 = arith.constant 16 : i32
      %mul3A_38 = arith.muli %scan3A_36, %mul3A_37 : i32
      %swap3A = arith.constant 0 : i32
      %swap3A_39 = arith.index_cast %swap3A : i32 to index
      %swap3A_40 = arith.index_cast %mul3A_38 : i32 to index
      %swap3A_41 = tpu.vector_load %arg12[%swap3A_39, %swap3A_40] {strides = array<i32>} : memref<2x640xf32, #tpu.memory_space<vmem>>, vector<16xf32>,
      tpu.vector_store %arg12[%swap3A_39, %swap3A_40], %broadcast_in_dim3A_1 {strides = array<i32>} : memref<2x640xf32, #tpu.memory_space<vmem>>, vector<16xf32>,
      %mul3A_42 = arith.constant 16 : i32
      %mul3A_43 = arith.muli %scan3A_36, %mul3A_42 : i32
      %swap3A_44 = arith.constant 1 : i32
      %swap3A_45 = arith.index_cast %swap3A_44 : i32 to index
      %swap3A_46 = arith.index_cast %mul3A_43 : i32 to index
      %swap3A_47 = tpu.vector_load %arg12[%swap3A_45, %swap3A_46] {strides = array<i32>} : memref<2x640xf32, #tpu.memory_space<vmem>>, vector<16xf32>,
      tpu.vector_store %arg12[%swap3A_45, %swap3A_46], %broadcast_in_dim3A_1 {strides = array<i32>} : memref<2x640xf32, #tpu.memory_space<vmem>>, vector<16xf32>,
    }
    %scan3A_31 = arith.constant 40 : i32
    %mul3A_32 = arith.constant 4 : i32
    %mul3A_33 = arith.muli %mul3A_32, %arg0 : i32
    %add3A_34 = arith.constant 2 : i32
    %add3A_35 = arith.addi %mul3A_33, %add3A_34 : i32
    "tpu.region"() ({
      %run_scoped3A_36 = tpu.sem_alloc : memref<!tpu.dma_semaphore, #tpu.memory_space<semaphore_mem>>
      %dma_start3A = tpu.memref_slice %arg4[%add3A_35, %multiple_of3A] : memref<8x10240xf32, #tpu.memory_space<hbm>> -> memref<2x640xf32, #tpu.memory_space<hbm>>
      %dma_start3A_37 = tpu.memref_slice %arg4[%add3A_35, %multiple_of3A] : memref<8x10240xf32, #tpu.memory_space<hbm>> -> memref<2x640xf32, #tpu.memory_space<hbm>>
      tpu.enqueue_dma source(%arg12 : memref<2x640xf32, #tpu.memory_space<vmem>>) target(%dma_start3A_37 : memref<2x640xf32, #tpu.memory_space<hbm>>) target_semaphore(%run_scoped3A_36 : memref<!tpu.dma_semaphore, #tpu.memory_space<semaphore_mem>>)
      %dma_wait3A = tpu.memref_slice %arg4[%add3A_35, %multiple_of3A] : memref<8x10240xf32, #tpu.memory_space<hbm>> -> memref<2x640xf32, #tpu.memory_space<hbm>>
      %dma_wait3A_38 = tpu.memref_slice %arg4[%add3A_35, %multiple_of3A] : memref<8x10240xf32, #tpu.memory_space<hbm>> -> memref<2x640xf32, #tpu.memory_space<hbm>>
      tpu.wait_dma2 semaphore(%run_scoped3A_36 : memref<!tpu.dma_semaphore, #tpu.memory_space<semaphore_mem>>) src(%arg12 : memref<2x640xf32, #tpu.memory_space<vmem>>) dst(%dma_wait3A_38 : memref<2x640xf32, #tpu.memory_space<hbm>>)
      tpu.yield
    }) : () -> ()
    return
  }
}

</mosaic_0001>

<sc_bundles>
// kernel: _degree_hist.3.cloned.1.call-start
scs
__scs_entry_jumppad:
0x0: {  	(pc) =	sbr.rel $0x88, $3  }
0x1: {  	(tag) =	ssettag $0x0;
	lr =	simm.s32 $0x1  }
0x2: {  	[smem:$0x3F9F] =	sst lr;
	_ =	strace $0xD0000000  }
0x3: {  	_ = 	snop  }
0x4: {  	_ = 	snop  }
0x5: {  	_ = 	snop  }
0x6: {  	_ = 	snop  }
0x7: {  	_ = 	snop  }
__scs_overlays_trampoline_lowered:
0x8: {  	[smem:$0x3FAE] =	sst s0  }
0x9: {  	[smem:$0x3FAF] =	sst s1  }
0xa: {  	[smem:$0x3FB0] =	sst s2  }
0xb: {  	[smem:$0x3FB1] =	sst s3  }
0xc: {  	[smem:$0x3FB2] =	sst s4  }
0xd: {  	[smem:$0x3FB3] =	sst s5  }
0xe: {  	[smem:$0x3FB4] =	sst s6  }
0xf: {  	[smem:$0x3FB5] =	sst s7  }
0x10: {  	[smem:$0x3FB6] =	sst s8  }
0x11: {  	[smem:$0x3FB7] =	sst s9;
	s0 =	simm.s32 @!p0 $0x0  }
0x12: {  	s1 =	sld [smem:$0x3F9D];
	s0 =	simm.s32 @p0 $0x1  }
0x13: {  	[smem:$0x3FB8] =	sst s0;
	s0 =	simm.s32 @!p1 $0x0  }
0x14: {  	s2 =	sld [smem:$0x3F9C];
	s0 =	simm.s32 @p1 $0x1  }
0x15: {  	[smem:$0x3FB9] =	sst s0;
	s0 =	simm.s32 @!p2 $0x0  }
0x16: {  	s3 =	sld [smem:$0x3FDB];
	s0 =	simm.s32 @p2 $0x1  }
0x17: {  	s4 =	simm.s32 $0x1BF5;
	[smem:$0x3FBB] =	sst s0  }
0x18: {  	s0 =	sld [smem:$0x3F9E];
	_ =	swait.ge [sflag:s4], $0x0  }
0x19: {  	s7 =	sld [smem:$0x3F9F]  }
0x1a: {  	s8 =	sadd.s32 $0xFFFFE003, lr  }
0x1b: {  	s9 =	sadd.s32 $0xFFFFFEF7, lr;
	s5 =	simm.s32 $0xFFFFFFFF;
	p2 =	slt.u32 s8, $0xFFFFF086  }
0x1c: {  	p1 =	slt.u32 s9, $0xF7A;
	s5 =	simm.s32 @!p2 $0x0  }
0x1d: {  	s5 =	simm.s32 @p1 $0x1;
	p0 =	seq.s32 s7, s2  }
0x1e: {  	s7 =	smul.u32 @!p0 $0xF7A, s2;
	p2 =	seq.s32 @!p0 s5, $0x0  }
0x1f: {  	s9 =	smul.u32 $0xF7A, s1;
	s8 =	simm.s32 @!p0 $0x1BF5;
	p2 =	por !p2, p0  }
0x20: {  	[sflag:s8] =	ssyncset.s32 @!p0 $0xFFFFF086;
	s6 =	sadd.s32 @!p0 s3, s7;
	s7 =	simm.s32 @!p0 $0x108  }
0x21: {  	s3 =	sadd.s32 s3, s9;
	s6 =	sadd.s32 @!p0 $0x88, s6;
	s7 =	simm.s32 @p2 $0x1082  }
0x22: {  	[simem:s7], [sflag:s8] =	dma.local @!p0 [hbm:s6], $0xF7A  }
0x23: {  	s9 =	sor.u32 $0xD0000000, s2;
	s6 =	simm.s32 $0x108;
	_ =	swait.ge @!p0 [sflag:s8], $0x0  }
0x24: {  	s3 =	sadd.s32 $0x88, s3;
	s6 =	simm.s32 @!p1 $0x1082;
	[sflag:s4] =	ssyncset.s32 $0xFFFFF086  }
0x25: {  	[simem:s6], [sflag:s4] =	dma.local [hbm:s3], $0xF7A  }
0x26: {  	[smem:$0x3F9F] =	sst s1;
	(tag) =	ssettag s2;
	_ =	strace s9  }
0x27: {  	s1 =	sld [smem:$0x3FAF]  }
0x28: {  	s2 =	sld [smem:$0x3FB0]  }
0x29: {  	s4 =	sld [smem:$0x3FB2]  }
0x2a: {  	p0 =	seq.s32 s5, $0x0;
	s5 =	sld [smem:$0x3FB3]  }
0x2b: {  	s6 =	sld [smem:$0x3FB4]  }
0x2c: {  	s7 =	sld [smem:$0x3FB5]  }
0x2d: {  	s3 =	simm.s32 $0x108;
	s8 =	sld [smem:$0x3FB6]  }
0x2e: {  	s3 =	simm.s32 @!p0 $0x1082;
	s9 =	sld [smem:$0x3FB7]  }
0x2f: {  	lr =	sadd.s32 s0, s3;
	s0 =	sld [smem:$0x3FAE]  }
0x30: {  	s3 =	sld [smem:$0x3FB1]  }
0x31: {  	[smem:$0x3FBA] =	sst s10  }
0x32: {  	s10 =	sld [smem:$0x3FB8];
	_ =	sdelay $0x3  }
0x33: {  	p0 =	seq.s32 s10, $0x1;
	s10 =	sld [smem:$0x3FBA];
	_ =	sdelay $0x3  }
0x34: {  	[smem:$0x3FBA] =	sst s10  }
0x35: {  	s10 =	sld [smem:$0x3FB9];
	_ =	sdelay $0x3  }
0x36: {  	p1 =	seq.s32 s10, $0x1;
	s10 =	sld [smem:$0x3FBA];
	_ =	sdelay $0x3  }
0x37: {  	[smem:$0x3FBA] =	sst s10  }
0x38: {  	s10 =	sld [smem:$0x3FBB]  }
0x39: {  	_ = 	snop;
	(pc) =	sbr.ind lr, $3  }
0x3a: {  	_ = 	snop  }
0x3b: {  	_ = 	snop  }
0x3c: {  	p2 =	seq.s32 s10, $0x1;
	s10 =	sld [smem:$0x3FBA]  }
0x3d: {  	_ =	shalt  }
0x3e: {  	_ =	shalt  }
0x3f: {  	_ =	shalt  }
0x40: {  	_ =	shalt  }
0x41: {  	_ =	shalt  }
0x42: {  	_ =	shalt  }
0x43: {  	_ =	shalt  }
0x44: {  	_ =	shalt  }
0x45: {  	_ =	shalt  }
0x46: {  	_ =	shalt  }
0x47: {  	_ =	shalt  }
0x48: {  	_ =	shalt  }
0x49: {  	_ =	shalt  }
0x4a: {  	_ =	shalt  }
0x4b: {  	_ =	shalt  }
0x4c: {  	_ =	shalt  }
0x4d: {  	_ =	shalt  }
0x4e: {  	_ =	shalt  }
0x4f: {  	_ =	shalt  }
0x50: {  	_ =	shalt  }
0x51: {  	_ =	shalt  }
0x52: {  	_ =	shalt  }
0x53: {  	_ =	shalt  }
0x54: {  	_ =	shalt  }
0x55: {  	_ =	shalt  }
0x56: {  	_ =	shalt  }
0x57: {  	_ =	shalt  }
0x58: {  	_ =	shalt  }
0x59: {  	_ =	shalt  }
0x5a: {  	_ =	shalt  }
0x5b: {  	_ =	shalt  }
0x5c: {  	_ =	shalt  }
0x5d: {  	_ =	shalt  }
0x5e: {  	_ =	shalt  }
0x5f: {  	_ =	shalt  }
0x60: {  	_ =	shalt  }
0x61: {  	_ =	shalt  }
0x62: {  	_ =	shalt  }
0x63: {  	_ =	shalt  }
0x64: {  	_ =	shalt  }
0x65: {  	_ =	shalt  }
0x66: {  	_ =	shalt  }
0x67: {  	_ =	shalt  }
0x68: {  	_ =	shalt  }
0x69: {  	_ =	shalt  }
0x6a: {  	_ =	shalt  }
0x6b: {  	_ =	shalt  }
0x6c: {  	_ =	shalt  }
0x6d: {  	_ =	shalt  }
0x6e: {  	_ =	shalt  }
0x6f: {  	_ =	shalt  }
0x70: {  	_ =	shalt  }
0x71: {  	_ =	shalt  }
0x72: {  	_ =	shalt  }
0x73: {  	_ =	shalt  }
0x74: {  	_ =	shalt  }
0x75: {  	_ =	shalt  }
0x76: {  	_ =	shalt  }
0x77: {  	_ =	shalt  }
0x78: {  	_ =	shalt  }
0x79: {  	_ =	shalt  }
0x7a: {  	_ =	shalt  }
0x7b: {  	_ =	shalt  }
0x7c: {  	_ =	shalt  }
0x7d: {  	_ =	shalt  }
0x7e: {  	_ =	shalt  }
0x7f: {  	_ =	shalt  }
0x80: {  	_ =	shalt  }
0x81: {  	_ =	shalt  }
0x82: {  	_ =	shalt  }
0x83: {  	_ =	shalt  }
0x84: {  	_ =	shalt  }
0x85: {  	_ =	shalt  }
0x86: {  	_ =	shalt  }
0x87: {  	_ =	shalt  }
.Lfunc_end0:
.L_simem_size_0:
called_computation_lowered:
.L_overlay_start_0:
0x88: {  	s2 =	sld [smem:$0x3FD9]  }
0x89: {  	s3 =	sld [smem:$0x3FFE];
	_ =	sdelay $0x1  }
0x8a: {  	s1 =	srdreg.scid  }
0x8b: {  	s0 =	sand.u32 $0x1, s1  }
0x8c: {  	s14 =	sshll.u32 s0, $0xA;
	s2 =	sadd.s32 s3, s2  }
0x8d: {  	s2 =	sadd.s32 s2, s14  }
0x8e: {  	[smem:$0x3FC6] =	sst s2  }
0x8f: {  	_ = 	snop  }
0x90: {  	s2 =	sld [smem:$0x3FD0];
	_ =	sdelay $0x2  }
0x91: {  	s15 =	simm.s32 $0xA;
	s4 =	simm.s32 $0x10  }
0x92: {  	[smem:s4], [sflag:s15] =	dma.local [hbm:s2], $0x1  }
0x93: {  	_ =	swait.eq [sflag:s15], $0x1  }
0x94: {  	[sflag:s15] =	ssyncset.done $0x0  }
0x95: {  	[sflag:s15] =	ssyncadd.s32 $0xFFFFFFFF  }
0x96: {  	s16 =	sld [smem:$0x11];
	(tm) =	ssettm $0x1  }
0x97: {  	s17 =	sld [smem:$0x3FFB];
	_ =	sdelay $0x3  }
0x98: {  	_ =	strace s17  }
0x99: {  	s3 =	sld [smem:$0x3FFC];
	_ =	sdelay $0x3  }
0x9a: {  	_ =	strace s3  }
0x9b: {  	s3 =	sld [smem:$0x3FFD];
	_ =	sdelay $0x3  }
0x9c: {  	_ =	strace s3  }
0x9d: {  	_ =	strace $0x8FFFFFFF  }
0x9e: {  	s18 =	sld [smem:$0x3FDB];
	_ =	sdelay $0x1  }
0x9f: {  	s19 =	simm.s32 $_scs_section_size  }
0xa0: {  	s5 =	simm.s32 $_size__tile_overlayer_lowered;
	s6 =	simm.s32 $_tile_overlayer_lowered  }
0xa1: {  	s22 =	simm.s32 $0x1BFF;
	s21 =	sshll.u32 s6, $0x1;
	s3 =	sadd.s32 s19, s18  }
0xa2: {  	s7 =	simm.s32 $0x0;
	s20 =	sshll.u32 s5, $0x1;
	s5 =	sadd.s32 s21, s3  }
0xa3: {  	[timem:s7], [sflag:s22] =	dma.local [hbm:s5], s20  }
0xa4: {  	_ =	swait.ge [sflag:s22], s20  }
0xa5: {  	s4 =	ssub.s32 $0x0, s20;
	[sflag:s22] =	ssyncset.done $0x0  }
0xa6: {  	[sflag:s22] =	ssyncadd.s32 s4;
	_ =	sdelay $0x1  }
0xa7: {  	s23 =	simm.s32 $0x1B8B  }
0xa8: {  	_ =	swait.ge [sflag:s23], $0x1  }
0xa9: {  	[sflag:s23] =	ssyncset.done $0x0  }
0xaa: {  	s25 =	simm.s32 $0x1B8E;
	s24 =	sld [smem:$0x3FFE];
	[sflag:s23] =	ssyncadd.s32 $0xFFFFFFFF  }
0xab: {  	s26 =	simm.s32 $execute0_lowered;
	[smem:$0x3FD2] =	sst s25  }
0xac: {  	s5 =	sshll.u32 s26, $0x1;
	_ =	strace $0x80000046;
	[dreg:$0x1] =	wrdreg $0xFFFFFFFF  }
0xad: {  	s28 =	simm.s32 $_size_execute0_lowered;
	s3 =	sadd.s32 s3, s5;
	[dreg:$0x0] =	wrdreg $0x0  }
0xae: {  	s5 =	sshll.u32 s28, $0x1;
	[dreg:$0x2] =	wrdreg s3  }
0xaf: {  	[dreg:$0x3] =	wrdreg s5  }
0xb0: {  	[dreg:$0x4] =	wrdreg $0xC0  }
0xb1: {  	_ =	task [dreg:s7], $0x5FFFF  }
0xb2: {  	[dreg:$0x1] =	wrdreg $0xFFFFFFFF  }
0xb3: {  	[dreg:$0x0] =	wrdreg $0x60  }
0xb4: {  	[dreg:$0x2] =	wrdreg s24  }
0xb5: {  	[dreg:$0x3] =	wrdreg s16  }
0xb6: {  	[dreg:$0x4] =	wrdreg $0x5FA00  }
0xb7: {  	[dreg:$0x5] =	wrdreg $0x9  }
0xb8: {  	_ =	task.clear_ibuf [dreg:s7], $0x6FFFF;
	_ =	strace $0x90000046  }
0xb9: {  	s29 =	simm.s32 $0x9;
	_ =	strace $0x80000048  }
0xba: {  	_ =	swait.ge [sflag:s29], $0x1  }
0xbb: {  	[sflag:s29] =	ssyncadd.s32 $0xFFFFFFFF  }
0xbc: {  	_ =	strace $0x90000048  }
0xbd: {  	_ =	sfence  }
0xbe: {  	s30 =	sld [smem:$0x0];
	_ =	sdelay $0x2  }
0xbf: {  	s31 =	sshll.u32 s1, $0xD;
	s1 =	sshrl.u32 s1, $0x2  }
0xc0: {  	s3 =	sand.u32 $0x4000, s31;
	s1 =	sadd.s32 s1, s30  }
0xc1: {  	s0 =	sor.u32 s3, s0;
	s1 =	sshll.u32 s1, $0x11  }
0xc2: {  	s0 =	sor.u32 s1, s0  }
0xc3: {  	s0 =	sadd.s32 $0x8F2B, s0  }
0xc4: {  	[sflag:s0] =	ssyncadd.remote.s32 $0x1  }
0xc5: {  	_ =	sfence.sel $0xFFFF  }
0xc6: {  	[dreg:$0x0] =	wrdreg $0xFFFFFFFF;
	(pc) =	sbr.abs _section_cstart, $3  }
0xc7: {  	[dreg:$0x1] =	wrdreg $0xFFFFFFFF  }
0xc8: {  	_ =	task.clear_ibuf [dreg:s7], $0x2FFFF;
	_ =	strace $0x9FFFFFFF  }
0xc9: {  	(tm) =	ssettm $0x7FFFFFFF  }
tec
execute0_lowered:
.L_overlay_start_1:
0x0: {  	(tag) =	ssettag $0x1  }
0x1: {  	s6 =	rddreg [dreg:$0x0]  }
0x2: {  	s1 =	srdreg.scid;
	s2 =	rddreg [dreg:$0x1]  }
0x3: {  	s0 =	stileid.u32;
	s10 =	rddreg [dreg:$0x2];
	s3 =	simm.s32 $0x0  }
0x4: {  	s15 =	simm.s32 $0x57D0;
	s16 =	simm.s32 $0x50;
	s17 =	simm.s32 $0xA0  }
0x5: {  	s18 =	simm.s32 $0x2800;
	s19 =	simm.s32 $0x1;
	s20 =	simm.s32 $0x280  }
0x6: {  	s21 =	simm.s32 $0xAFA0;
	s22 =	simm.s32 $0xFFA0;
	s23 =	simm.s32 $0x0  }
0x7: {  	s7 =	sand.u32 $0x1, s1;
	s9 =	smul.u32 $0x280, s0;
	s1 =	rddreg [dreg:$0x3]  }
0x8: {  	[smem:$0x7FF] =	sst s3;
	s11 =	smul.u32 $0x14000, s0;
	s5 =	sadd.s32 $0xA800, s6  }
0x9: {  	s4 =	smul.u32 $0xA000, s7;
	_ =	strace $0x80000047;
	s28 =	ssub.s32 $0x2, s7  }
0xa: {  	s29 =	sshll.u32 s7, $0x4;
	s30 =	sshrl.u32 s11, $0x2;
	s31 =	sshrl.u32 s28, $0x1  }
0xb: {  	s13 =	sor.u32 s0, s29;
	s4 =	sadd.s32 s9, s4;
	s14 =	ssub.s32 s28, s31  }
0xc: {  	s7 =	smul.u32 $0x7D, s13;
	s9 =	sadd.s32 s9, s10;
	s8 =	sshrl.u32 s4, $0x3  }
0xd: {  	s4 =	sadd.s32 $0xA00, s6;
	s12 =	sadd.s32 s8, s6;
	s6 =	sadd.s32 s30, s10  }
0xe: {  	s13 =	simm.s32 $0x5000;
	s8 =	sadd.s32 $0x2800, s6;
	s10 =	sadd.s32 $0x14600, s12  }
0xf: {  	v0 =	vimm.f32 $0.0e+00;
	v1 =	vimm.f32 $1.000000000e+00;
	s11 =	sadd.s32 $0x15000, s12;
	s12 =	smax.u32 s14, $0x1;
	s14 =	simm.s32 $0x2  }
.LBB2_1:
0x10: {  	s24 =	simm.s32 $0x40;
	s25 =	simm.s32 $0x0  }
.LBB2_2:
0x11: {  	p0 =	sne.s32 s24, $0x9FC0;
	[tilespmem:s25+$0x0] =	vst v0;
	s26 =	smov.u32 s24;
	s24 =	sadd.s32 $0x40, s24  }
.Ltmp0:
0x12: {  	[tilespmem:s25+$0x2800] =	vst v0;
	(pc) =	sbr.rel @p0 .LBB2_2-.Ltmp0, $2  }
0x13: {  	_ =	sdelay $0x2  }
0x14: {  	s25 =	sshra.s32 s26, $0x2  }
0x15: {  	[tilespmem:s25+$0x0] =	vst v0  }
0x16: {  	s24 =	simm.s32 $0x0;
	[tilespmem:s25+$0x2800] =	vst v0;
	s25 =	simm.s32 $0x0  }
.LBB2_4:
0x17: {  	s26 =	smul.u32 $0x19, s25;
	_ =	sdelay $0x1  }
0x18: {  	s26 =	sadd.s32 s7, s26  }
0x19: {  	s28 =	smul.u32 $0xA, s26;
	_ =	sdelay $0x1  }
0x1a: {  	s29 =	sadd.s32 s4, s28  }
0x1b: {  	[tilespmem:s13], [sflag:$0x2] =	stream.linear.gather [hbm4b:s29+s24], $0x7D0, $0x38;
	[tilespmem:$0x104A0] =	vst v63  }
0x1c: {  	_ =	swait.ge [sflag:s14], $0x7D0  }
0x1d: {  	[sflag:s14] =	ssyncset.done $0x0  }
0x1e: {  	s26 =	smul.u32 $0xA0, s26;
	s28 =	sadd.s32 s5, s28;
	[sflag:s14] =	ssyncadd.s32 $0xFFFFF830  }
0x1f: {  	[tilespmem:s15], [sflag:$0x2] =	stream.linear.gather [hbm4b:s28+s24], $0x7D0, $0x38;
	[tilespmem:$0x104A0] =	vst v63  }
0x20: {  	_ =	swait.ge [sflag:s14], $0x7D0  }
0x21: {  	s26 =	sshrl.u32 s26, $0x3;
	[sflag:s14] =	ssyncset.done $0x0  }
0x22: {  	s26 =	sadd.s32 s2, s26;
	[sflag:s14] =	ssyncadd.s32 $0xFFFFF830  }
0x23: {  	[hbm4b:s26+s16] =	stream.strided.scatter [tilespmem:s13], [sflag:$0x1], $0x7D0, s17, s16, $0x38;
	[tilespmem:$0x104A0] =	vst v63  }
0x24: {  	s26 =	sadd.s32 $0xA, s26  }
0x25: {  	[hbm4b:s26+s16] =	stream.strided.scatter [tilespmem:s15], [sflag:$0x1], $0x7D0, s17, s16, $0x38;
	[tilespmem:$0x104A0] =	vst v63  }
0x26: {  	s26 =	simm.s32 $0x0  }
.LBB2_5:
0x27: {  	s28 =	sshra.s32 s26, $0x2  }
0x28: {  	v2 =	vld [tilespmem:s28+$0x5000];
	_ =	sdelay $0x7  }
0x29: {  	[tilespmem:v2+s3+$0x0] =	vst.idx.add.f32.msk $0xffff, v1  }
0x2a: {  	v2 =	vld [tilespmem:s28+$0x57D0];
	_ =	sdelay $0x7  }
0x2b: {  	[tilespmem:v2+s18+$0x0] =	vst.idx.add.f32.msk $0xffff, v1  }
0x2c: {  	v2 =	vld [tilespmem:s28+$0x5010];
	_ =	sdelay $0x7  }
0x2d: {  	[tilespmem:v2+s3+$0x0] =	vst.idx.add.f32.msk $0xffff, v1  }
0x2e: {  	v2 =	vld [tilespmem:s28+$0x57E0];
	_ =	sdelay $0x7  }
0x2f: {  	[tilespmem:v2+s18+$0x0] =	vst.idx.add.f32.msk $0xffff, v1  }
0x30: {  	v2 =	vld [tilespmem:s28+$0x5020];
	_ =	sdelay $0x7  }
0x31: {  	[tilespmem:v2+s3+$0x0] =	vst.idx.add.f32.msk $0xffff, v1  }
0x32: {  	v2 =	vld [tilespmem:s28+$0x57F0];
	_ =	sdelay $0x7  }
0x33: {  	[tilespmem:v2+s18+$0x0] =	vst.idx.add.f32.msk $0xffff, v1  }
0x34: {  	v2 =	vld [tilespmem:s28+$0x5030];
	_ =	sdelay $0x7  }
0x35: {  	[tilespmem:v2+s3+$0x0] =	vst.idx.add.f32.msk $0xffff, v1  }
0x36: {  	v2 =	vld [tilespmem:s28+$0x5800];
	_ =	sdelay $0x7  }
0x37: {  	[tilespmem:v2+s18+$0x0] =	vst.idx.add.f32.msk $0xffff, v1  }
0x38: {  	v2 =	vld [tilespmem:s28+$0x5040];
	_ =	sdelay $0x7  }
0x39: {  	[tilespmem:v2+s3+$0x0] =	vst.idx.add.f32.msk $0xffff, v1  }
0x3a: {  	v2 =	vld [tilespmem:s28+$0x5810];
	_ =	sdelay $0x2  }
0x3b: {  	p0 =	sne.s32 s26, $0x1E00  }
.Ltmp1:
0x3c: {  	_ = 	snop;
	(pc) =	sbr.rel @p0 .LBB2_5-.Ltmp1, $2  }
0x3d: {  	_ =	sdelay $0x2  }
0x3e: {  	s26 =	sadd.s32 $0x140, s26;
	[tilespmem:v2+s18+$0x0] =	vst.idx.add.f32.msk $0xffff, v1  }
0x3f: {  	s25 =	sadd.s32 $0x1, s25  }
0x40: {  	_ =	swait.ge [sflag:s19], $0x7D0;
	p0 =	sne.s32 s25, $0x5  }
.Ltmp2:
0x41: {  	[sflag:s19] =	ssyncset.done $0x0;
	(pc) =	sbr.rel @p0 .LBB2_4-.Ltmp2, $4  }
0x42: {  	[sflag:s19] =	ssyncadd.s32 $0xFFFFF830  }
0x43: {  	_ =	swait.ge [sflag:s19], $0x7D0  }
0x44: {  	[sflag:s19] =	ssyncset.done $0x0  }
0x45: {  	[sflag:s19] =	ssyncadd.s32 $0xFFFFF830  }
0x46: {  	s24 =	simm.s32 $0x0  }
0x47: {  	[spmem:s6] =	stream.linear.scatter [tilespmem:s24], [sflag:$0x2], $0x2800, $0x38;
	[tilespmem:$0x104A0] =	vst v63  }
0x48: {  	_ =	swait.ge [sflag:s14], $0x2800  }
0x49: {  	[sflag:s14] =	ssyncset.done $0x0  }
0x4a: {  	[sflag:s14] =	ssyncadd.s32 $0xFFFFD800  }
0x4b: {  	[spmem:s8] =	stream.linear.scatter [tilespmem:s18], [sflag:$0x2], $0x2800, $0x38;
	[tilespmem:$0x104A0] =	vst v63  }
0x4c: {  	_ =	swait.ge [sflag:s14], $0x2800  }
0x4d: {  	[sflag:s14] =	ssyncset.done $0x0  }
0x4e: {  	[sflag:s14] =	ssyncadd.s32 $0xFFFFD800  }
0x4f: {  	[bflag:$0x0] =	sbarrier.arrive $0xFFFF  }
0x50: {  	[tilespmem:s21], [sflag:$0x2] =	stream.strided.gather [spmem:s9], $0x5000, s18, s20, $0x38;
	[tilespmem:$0x104A0] =	vst v63  }
0x51: {  	_ =	swait.ge [sflag:s14], $0x5000  }
0x52: {  	[sflag:s14] =	ssyncset.done $0x0  }
0x53: {  	s24 =	simm.s32 $0x0;
	[sflag:s14] =	ssyncadd.s32 $0xFFFFB000  }
0x54: {  	v2 =	vld [tilespmem:s24+$0xB220]  }
0x55: {  	v3 =	vld [tilespmem:s24+$0xB720]  }
0x56: {  	v4 =	vld [tilespmem:s24+$0xAFA0]  }
0x57: {  	v5 =	vld [tilespmem:s24+$0xBC20]  }
0x58: {  	v6 =	vld [tilespmem:s24+$0xB4A0]  }
0x59: {  	v7 =	vld [tilespmem:s24+$0xC120]  }
0x5a: {  	v8 =	vld [tilespmem:s24+$0xB9A0];
	v2 =	vadd.f32 v3, v2  }
0x5b: {  	v3 =	vld [tilespmem:s24+$0xC620]  }
0x5c: {  	v9 =	vld [tilespmem:s24+$0xBEA0];
	v2 =	vadd.f32 v5, v2  }
0x5d: {  	v4 =	vadd.f32 v6, v4;
	v5 =	vld [tilespmem:s24+$0xCB20]  }
0x5e: {  	v6 =	vld [tilespmem:s24+$0xC3A0];
	v2 =	vadd.f32 v7, v2  }
0x5f: {  	v4 =	vadd.f32 v8, v4;
	v7 =	vld [tilespmem:s24+$0xD020]  }
0x60: {  	v8 =	vld [tilespmem:s24+$0xC8A0];
	v2 =	vadd.f32 v3, v2  }
0x61: {  	v4 =	vadd.f32 v9, v4;
	v3 =	vld [tilespmem:s24+$0xD520]  }
0x62: {  	v9 =	vld [tilespmem:s24+$0xCDA0];
	v2 =	vadd.f32 v5, v2  }
0x63: {  	v4 =	vadd.f32 v6, v4;
	v5 =	vld [tilespmem:s24+$0xDA20]  }
0x64: {  	v6 =	vld [tilespmem:s24+$0xD2A0];
	v2 =	vadd.f32 v7, v2  }
0x65: {  	v4 =	vadd.f32 v8, v4;
	v7 =	vld [tilespmem:s24+$0xDF20]  }
0x66: {  	v8 =	vld [tilespmem:s24+$0xD7A0];
	v2 =	vadd.f32 v3, v2  }
0x67: {  	v4 =	vadd.f32 v9, v4;
	v3 =	vld [tilespmem:s24+$0xE420]  }
0x68: {  	v9 =	vld [tilespmem:s24+$0xDCA0];
	v2 =	vadd.f32 v5, v2  }
0x69: {  	v4 =	vadd.f32 v6, v4;
	v5 =	vld [tilespmem:s24+$0xE920]  }
0x6a: {  	v6 =	vld [tilespmem:s24+$0xE1A0];
	v2 =	vadd.f32 v7, v2  }
0x6b: {  	v4 =	vadd.f32 v8, v4;
	v7 =	vld [tilespmem:s24+$0xEE20]  }
0x6c: {  	v8 =	vld [tilespmem:s24+$0xE6A0];
	v2 =	vadd.f32 v3, v2  }
0x6d: {  	v4 =	vadd.f32 v9, v4;
	v3 =	vld [tilespmem:s24+$0xF320]  }
0x6e: {  	v9 =	vld [tilespmem:s24+$0xEBA0];
	v2 =	vadd.f32 v5, v2  }
0x6f: {  	v10 =	vld [tilespmem:s24+$0xF820];
	v5 =	vadd.f32 v6, v4  }
0x70: {  	v4 =	vld [tilespmem:s24+$0xF0A0];
	v2 =	vadd.f32 v7, v2  }
0x71: {  	v6 =	vld [tilespmem:s24+$0xFD20];
	v7 =	vadd.f32 v8, v5  }
0x72: {  	v5 =	vld [tilespmem:s24+$0xF5A0];
	v8 =	vadd.f32 v3, v2  }
0x73: {  	s25 =	simm.s32 $0x10;
	v3 =	vld [tilespmem:s24+$0xFAA0];
	v7 =	vadd.f32 v9, v7  }
0x74: {  	s26 =	simm.s32 $0x80;
	v2 =	vld [tilespmem:s25+$0xB220];
	v8 =	vadd.f32 v10, v8  }
.LBB2_8:
0x75: {  	p0 =	sne.s32 s26, $0x9C0;
	v9 =	vld [tilespmem:s25+$0xB720];
	v4 =	vadd.f32 v4, v7  }
0x76: {  	v7 =	vld [tilespmem:s25+$0xAFA0];
	v6 =	vadd.f32 v6, v8  }
0x77: {  	v8 =	vld [tilespmem:s25+$0xBC20];
	v4 =	vadd.f32 v5, v4  }
0x78: {  	v5 =	vld [tilespmem:s25+$0xB4A0];
	[tilespmem:s24+$0x10220] =	vst v6  }
0x79: {  	v6 =	vld [tilespmem:s25+$0xC120];
	v3 =	vadd.f32 v3, v4  }
0x7a: {  	v4 =	vld [tilespmem:s25+$0xB9A0];
	v2 =	vadd.f32 v9, v2  }
0x7b: {  	v9 =	vld [tilespmem:s25+$0xC620];
	[tilespmem:s24+$0xFFA0] =	vst v3;
	s24 =	smov.u32 s25  }
0x7c: {  	v3 =	vld [tilespmem:s24+$0xBEA0];
	v2 =	vadd.f32 v8, v2  }
0x7d: {  	v5 =	vadd.f32 v5, v7;
	v7 =	vld [tilespmem:s24+$0xCB20]  }
0x7e: {  	v8 =	vld [tilespmem:s24+$0xC3A0];
	v2 =	vadd.f32 v6, v2  }
0x7f: {  	v4 =	vadd.f32 v4, v5;
	v5 =	vld [tilespmem:s24+$0xD020]  }
0x80: {  	v6 =	vld [tilespmem:s24+$0xC8A0];
	v2 =	vadd.f32 v9, v2  }
0x81: {  	v3 =	vadd.f32 v3, v4;
	v4 =	vld [tilespmem:s24+$0xD520]  }
0x82: {  	v9 =	vld [tilespmem:s24+$0xCDA0];
	v2 =	vadd.f32 v7, v2  }
0x83: {  	v3 =	vadd.f32 v8, v3;
	v7 =	vld [tilespmem:s24+$0xDA20]  }
0x84: {  	v8 =	vld [tilespmem:s24+$0xD2A0];
	v2 =	vadd.f32 v5, v2  }
0x85: {  	v3 =	vadd.f32 v6, v3;
	v5 =	vld [tilespmem:s24+$0xDF20]  }
0x86: {  	v6 =	vld [tilespmem:s24+$0xD7A0];
	v2 =	vadd.f32 v4, v2  }
0x87: {  	v3 =	vadd.f32 v9, v3;
	v4 =	vld [tilespmem:s24+$0xE420]  }
0x88: {  	v9 =	vld [tilespmem:s24+$0xDCA0];
	v2 =	vadd.f32 v7, v2  }
0x89: {  	v3 =	vadd.f32 v8, v3;
	v7 =	vld [tilespmem:s24+$0xE920]  }
0x8a: {  	v8 =	vld [tilespmem:s24+$0xE1A0];
	v2 =	vadd.f32 v5, v2  }
0x8b: {  	v3 =	vadd.f32 v6, v3;
	v5 =	vld [tilespmem:s24+$0xEE20]  }
0x8c: {  	v6 =	vld [tilespmem:s24+$0xE6A0];
	v2 =	vadd.f32 v4, v2  }
0x8d: {  	v3 =	vadd.f32 v9, v3;
	v9 =	vld [tilespmem:s24+$0xF320]  }
0x8e: {  	v10 =	vld [tilespmem:s24+$0xEBA0];
	v2 =	vadd.f32 v7, v2  }
0x8f: {  	v3 =	vadd.f32 v8, v3;
	v8 =	vld [tilespmem:s24+$0xF820]  }
.Ltmp3:
0x90: {  	v4 =	vld [tilespmem:s24+$0xF0A0];
	v2 =	vadd.f32 v5, v2;
	(pc) =	sbr.rel @p0 .LBB2_8-.Ltmp3, $4  }
0x91: {  	v3 =	vadd.f32 v6, v3;
	v6 =	vld [tilespmem:s24+$0xFD20]  }
0x92: {  	v5 =	vld [tilespmem:s24+$0xF5A0];
	v9 =	vadd.f32 v9, v2  }
0x93: {  	s25 =	sshra.s32 s26, $0x2;
	v7 =	vadd.f32 v10, v3;
	v3 =	vld [tilespmem:s24+$0xFAA0]  }
0x94: {  	s26 =	sadd.s32 $0x40, s26;
	v2 =	vld [tilespmem:s25+$0xB220];
	v8 =	vadd.f32 v8, v9  }
0x95: {  	v9 =	vld [tilespmem:s25+$0xB720];
	v4 =	vadd.f32 v4, v7  }
0x96: {  	v10 =	vld [tilespmem:s25+$0xAFA0];
	v6 =	vadd.f32 v6, v8  }
0x97: {  	v37 =	vld [tilespmem:s25+$0xBC20];
	v4 =	vadd.f32 v5, v4  }
0x98: {  	v38 =	vld [tilespmem:s25+$0xB4A0];
	[tilespmem:s24+$0x10220] =	vst v6  }
0x99: {  	v39 =	vld [tilespmem:s25+$0xC120];
	v3 =	vadd.f32 v3, v4  }
0x9a: {  	v40 =	vld [tilespmem:s25+$0xB9A0]  }
0x9b: {  	v6 =	vld [tilespmem:s25+$0xC620];
	[tilespmem:s24+$0xFFA0] =	vst v3  }
0x9c: {  	v2 =	vadd.f32 v9, v2;
	v3 =	vld [tilespmem:s25+$0xBEA0]  }
0x9d: {  	v8 =	vadd.f32 v38, v10  }
0x9e: {  	v2 =	vadd.f32 v37, v2;
	v41 =	vld [tilespmem:s25+$0xC3A0]  }
0x9f: {  	v42 =	vld [tilespmem:s25+$0xCB20];
	v4 =	vadd.f32 v40, v8  }
0xa0: {  	v43 =	vld [tilespmem:s25+$0xC8A0];
	v2 =	vadd.f32 v39, v2  }
0xa1: {  	v44 =	vld [tilespmem:s25+$0xD020];
	v3 =	vadd.f32 v3, v4  }
0xa2: {  	v45 =	vld [tilespmem:s25+$0xCDA0];
	v2 =	vadd.f32 v6, v2  }
0xa3: {  	v46 =	vld [tilespmem:s25+$0xD520];
	v3 =	vadd.f32 v41, v3  }
0xa4: {  	v47 =	vld [tilespmem:s25+$0xD2A0];
	v2 =	vadd.f32 v42, v2  }
0xa5: {  	v48 =	vld [tilespmem:s25+$0xDA20];
	v3 =	vadd.f32 v43, v3  }
0xa6: {  	v49 =	vld [tilespmem:s25+$0xD7A0];
	v2 =	vadd.f32 v44, v2  }
0xa7: {  	v50 =	vld [tilespmem:s25+$0xDF20];
	v3 =	vadd.f32 v45, v3  }
0xa8: {  	v51 =	vld [tilespmem:s25+$0xDCA0];
	v2 =	vadd.f32 v46, v2  }
0xa9: {  	v52 =	vld [tilespmem:s25+$0xE420];
	v3 =	vadd.f32 v47, v3  }
0xaa: {  	v53 =	vld [tilespmem:s25+$0xE1A0];
	v2 =	vadd.f32 v48, v2  }
0xab: {  	v54 =	vld [tilespmem:s25+$0xE920];
	v3 =	vadd.f32 v49, v3  }
0xac: {  	v55 =	vld [tilespmem:s25+$0xE6A0];
	v2 =	vadd.f32 v50, v2  }
0xad: {  	v56 =	vld [tilespmem:s25+$0xEE20];
	v3 =	vadd.f32 v51, v3  }
0xae: {  	v57 =	vld [tilespmem:s25+$0xEBA0];
	v2 =	vadd.f32 v52, v2  }
0xaf: {  	v58 =	vld [tilespmem:s25+$0xF320];
	v3 =	vadd.f32 v53, v3  }
0xb0: {  	v59 =	vld [tilespmem:s25+$0xF0A0];
	v2 =	vadd.f32 v54, v2  }
0xb1: {  	v60 =	vld [tilespmem:s25+$0xF820];
	v3 =	vadd.f32 v55, v3  }
0xb2: {  	v61 =	vld [tilespmem:s25+$0xF5A0];
	v2 =	vadd.f32 v56, v2  }
0xb3: {  	v62 =	vld [tilespmem:s25+$0xFD20];
	v3 =	vadd.f32 v57, v3  }
0xb4: {  	v63 =	vld [tilespmem:s25+$0xFAA0];
	v2 =	vadd.f32 v58, v2  }
0xb5: {  	v3 =	vadd.f32 v59, v3  }
0xb6: {  	v2 =	vadd.f32 v60, v2  }
0xb7: {  	v3 =	vadd.f32 v61, v3  }
0xb8: {  	v2 =	vadd.f32 v62, v2  }
0xb9: {  	v3 =	vadd.f32 v63, v3  }
0xba: {  	[tilespmem:s25+$0x10220] =	vst v2  }
0xbb: {  	[tilespmem:s25+$0xFFA0] =	vst v3  }
0xbc: {  	[hbm4b:s10+s20] =	stream.strided.scatter [tilespmem:s22], [sflag:$0x2], $0x500, s18, s20, $0x38;
	[tilespmem:$0x104A0] =	vst v63  }
0xbd: {  	_ =	swait.ge [sflag:s14], $0x500  }
0xbe: {  	[sflag:s14] =	ssyncset.done $0x0  }
0xbf: {  	s24 =	simm.s32 $0x40;
	s25 =	simm.s32 $0x0;
	[sflag:s14] =	ssyncadd.s32 $0xFFFFFB00  }
.LBB2_10:
0xc0: {  	p0 =	sne.s32 s24, $0x9C0;
	[tilespmem:s25+$0xFFA0] =	vst v0;
	s26 =	smov.u32 s24;
	s24 =	sadd.s32 $0x40, s24  }
.Ltmp4:
0xc1: {  	[tilespmem:s25+$0x10220] =	vst v0;
	(pc) =	sbr.rel @p0 .LBB2_10-.Ltmp4, $2  }
0xc2: {  	_ =	sdelay $0x2  }
0xc3: {  	s25 =	sshra.s32 s26, $0x2  }
0xc4: {  	s23 =	sadd.s32 $0x1, s23  }
0xc5: {  	[tilespmem:s25+$0xFFA0] =	vst v0;
	p0 =	sne.s32 s23, s12  }
.Ltmp5:
0xc6: {  	[tilespmem:s25+$0x10220] =	vst v0;
	(pc) =	sbr.rel @p0 .LBB2_1-.Ltmp5, $4  }
0xc7: {  	[hbm4b:s11+s20] =	stream.strided.scatter [tilespmem:s22], [sflag:$0x2], $0x500, s18, s20, $0x38;
	[tilespmem:$0x104A0] =	vst v63  }
0xc8: {  	_ =	swait.ge [sflag:s14], $0x500  }
0xc9: {  	[sflag:s14] =	ssyncset.done $0x0  }
0xca: {  	[sflag:s14] =	ssyncadd.s32 $0xFFFFFB00  }
0xcb: {  	_ =	sfence.sel $0x180000  }
0xcc: {  	[bflag:$0x0] =	sbarrier.arrive $0xFFFF  }
0xcd: {  	p0 =	sne.s32 s0, $0x0;
	_ =	strace $0x90000047  }
0xce: {  	s0 =	sadd.s32 @!p0 $0x100000, s1;
	[bflag:$0x2] =	sbarrier.arrive $0xFFFF  }
0xcf: {  	[sflag:s0] =	ssyncadd.tile.s32 @!p0 $0x1;
	_ =	shalt  }
.Lfunc_end2:
_tile_overlayer_lowered:
.L_overlay_start_2:
0xd0: {  	(tag) =	ssettag $0x2  }
0xd1: {  	s0 =	rddreg [dreg:$0x0];
	s2 =	stileid.u32  }
0xd2: {  	s1 =	rddreg [dreg:$0x1];
	p0 =	sne.s32 s2, $0x0  }
0xd3: {  	s3 =	rddreg [dreg:$0x2];
	[bflag:$0x3] =	sbarrier.arrive $0xFFFF;
	s2 =	simm.s32 @!p0 $0x1C02  }
0xd4: {  	[timem:s3], [sflag:s2] =	dma.local @!p0 [hbm:s0], s1  }
0xd5: {  	s0 =	simm.s32 @!p0 $0x2  }
0xd6: {  	_ =	swait.ge @!p0 [sflag:s0], s1  }
0xd7: {  	s1 =	ssub.s32 @!p0 $0x0, s1;
	[sflag:s0] =	ssyncset.done @!p0 $0x0  }
0xd8: {  	[sflag:s0] =	ssyncadd.s32 @!p0 s1  }
0xd9: {  	[bflag:$0x3] =	sbarrier.arrive $0xFFFF  }
0xda: {  	_ =	shalt  }

</sc_bundles>
